<compile_context>
chip_gen: v7x
topology: tpu7x:2x2x1
jax: 0.10.2.dev20260603
libtpu: 0.0.44.dev20260713+nightly
codegen_flags: <defaults>
</compile_context>

<pallas_src>
import functools

import jax
import jax.numpy as jnp
from jax import lax
from jax.experimental import pallas as pl
from jax.experimental.pallas import tpu as pltpu
from jax.experimental.pallas import tpu_sc as plsc

N = 10000
F0, F1, F2 = 128, 256, 128
E = 320000
NC, NS = 2, 16
NW = NC * NS
G = 128
EPAD = 327680
NPAD = 10240
RPT = NPAD // NS
R = 640
R2 = 80

_f32 = jnp.float32


@functools.cache
def _sc_kernels():
    mesh = plsc.VectorSubcoreMesh(core_axis_name="c", subcore_axis_name="s")

    k1 = functools.partial(
        pl.kernel,
        out_type=jax.ShapeDtypeStruct((2 * NPAD, 16), _f32),
        mesh=mesh,
        scratch_types=[
            pltpu.VMEM((G,), jnp.int32),
            pltpu.VMEM((G, 16), _f32),
            pltpu.VMEM_SHARED((NPAD, 16), _f32),
        ],
        name="gcn_sc_hist",
    )(_k1_hist)
    k3 = functools.partial(
        pl.kernel,
        out_type=jax.ShapeDtypeStruct((2 * NPAD, F0), _f32),
        mesh=mesh,
        scratch_types=[
            pltpu.VMEM((G,), jnp.int32),
            pltpu.VMEM((G,), jnp.int32),
            pltpu.VMEM((G, F0), _f32),
            pltpu.VMEM_SHARED((NPAD, F0), _f32),
            pltpu.SemaphoreType.DMA,
        ],
        name="gcn_sc_spmm1",
    )(_k3_spmm1)
    k5 = functools.partial(
        pl.kernel,
        out_type=jax.ShapeDtypeStruct((2 * NPAD, F2), _f32),
        mesh=mesh,
        scratch_types=[
            pltpu.VMEM((G,), jnp.int32),
            pltpu.VMEM((G,), jnp.int32),
            pltpu.VMEM((G, F2), _f32),
            pltpu.VMEM_SHARED((NPAD, F2), _f32),
            pltpu.SemaphoreType.DMA,
        ],
        name="gcn_sc_spmm2",
    )(_k5_spmm2)
    return k1, k3, k5


def _k1_hist(dst_hbm, ones_hbm, z16_hbm, out, didx, ones_v, acc):
    c = lax.axis_index("c")
    s = lax.axis_index("s")
    pltpu.sync_copy(z16_hbm, acc.at[pl.ds(s * RPT, RPT)])
    pltpu.sync_copy(ones_hbm, ones_v)
    plsc.subcore_barrier()
    base = (c * NS + s) * (EPAD // NW)

    def body(g, carry):
        off = pl.multiple_of(base + g * G, G)
        pltpu.sync_copy(dst_hbm.at[pl.ds(off, G)], didx)
        pltpu.sync_copy(ones_v, acc.at[didx], add=True)
        return carry

    lax.fori_loop(0, EPAD // NW // G, body, 0)
    plsc.subcore_barrier()
    pltpu.sync_copy(acc.at[pl.ds(s * RPT, RPT)],
                    out.at[pl.ds(c * NPAD + s * RPT, RPT)])


def _k2_body(x_ref, w1_ref, d0_ref, d1_ref, dinv_ref, ycat_ref):
    deg = d0_ref[0][:, :1] + d1_ref[0][:, :1] + 1.0
    dinv = lax.rsqrt(deg)
    xw = jnp.dot(x_ref[...], w1_ref[...], preferred_element_type=_f32)
    ycat_ref[...] = xw * dinv
    dinv_ref[...] = jnp.broadcast_to(dinv, (R, F0))


_NB = NPAD // R


def _k2_prep(x_p, w1, d0, d1):
    return pl.pallas_call(
        _k2_body,
        grid=(_NB, 2),
        in_specs=[
            pl.BlockSpec((R, F0), lambda j, h: (j, 0)),
            pl.BlockSpec((F0, F0), lambda j, h: (0, h)),
            pl.BlockSpec((1, R, 16), lambda j, h: (0, j, 0)),
            pl.BlockSpec((1, R, 16), lambda j, h: (1, j, 0)),
        ],
        out_specs=[
            pl.BlockSpec((R, F0), lambda j, h: (j, 0)),
            pl.BlockSpec((R, F0), lambda j, h: (h * _NB + j, 0)),
        ],
        out_shape=[
            jax.ShapeDtypeStruct((NPAD, F0), _f32),
            jax.ShapeDtypeStruct((2 * NPAD, F0), _f32),
        ],
    )(x_p, w1, d0, d1)


def _k3_spmm1(src2_hbm, dst_hbm, ycat_hbm, out,
              sidx, didx, rows, acc, sem):
    c = lax.axis_index("c")
    s = lax.axis_index("s")
    pltpu.sync_copy(ycat_hbm.at[pl.ds(c * NPAD + s * RPT, RPT)],
                    acc.at[pl.ds(s * RPT, RPT)])
    plsc.subcore_barrier()
    base = s * (EPAD // NS)

    def body(g, carry):
        off = pl.multiple_of(base + g * G, G)
        pltpu.sync_copy(src2_hbm.at[pl.ds(c * EPAD + off, G)], sidx)
        pltpu.sync_copy(dst_hbm.at[pl.ds(off, G)], didx)
        pltpu.async_copy(ycat_hbm.at[sidx], rows, sem).wait()
        pltpu.sync_copy(rows, acc.at[didx], add=True)
        return carry

    lax.fori_loop(0, EPAD // NS // G, body, 0)
    plsc.subcore_barrier()
    pltpu.sync_copy(acc.at[pl.ds(s * RPT, RPT)],
                    out.at[pl.ds(c * NPAD + s * RPT, RPT)])


def _k4_body(slo_ref, shi_ref, dinv_ref, b1_ref, w2_ref, y2_ref):
    dv = dinv_ref[...]
    b1 = b1_ref[...]
    h0 = jnp.maximum(slo_ref[0] * dv + b1[:, :F0], 0.0)
    h1 = jnp.maximum(shi_ref[0] * dv + b1[:, F0:], 0.0)
    w2 = w2_ref[...]
    z = (jnp.dot(h0, w2[:F0, :], preferred_element_type=_f32)
         + jnp.dot(h1, w2[F0:, :], preferred_element_type=_f32))
    rows = pl.program_id(0) * R + lax.broadcasted_iota(jnp.int32, (R, F2), 0)
    keep = (rows < N) & (pl.program_id(1) == 0)
    y2_ref[...] = jnp.where(keep, z * dv, 0.0)


def _k4_mid(s3, dinv, b1, w2):
    return pl.pallas_call(
        _k4_body,
        grid=(NPAD // R, 2),
        in_specs=[
            pl.BlockSpec((1, R, F0), lambda j, h: (0, j, 0)),
            pl.BlockSpec((1, R, F0), lambda j, h: (1, j, 0)),
            pl.BlockSpec((R, F0), lambda j, h: (j, 0)),
            pl.BlockSpec((1, F1), lambda j, h: (0, 0)),
            pl.BlockSpec((F1, F2), lambda j, h: (0, 0)),
        ],
        out_specs=pl.BlockSpec((R, F2), lambda j, h: (h * (NPAD // R) + j, 0)),
        out_shape=jax.ShapeDtypeStruct((2 * NPAD, F2), _f32),
    )(s3, s3, dinv, b1, w2)


def _k5_spmm2(src_hbm, dst_hbm, y2z_hbm, out,
              sidx, didx, rows, acc, sem):
    c = lax.axis_index("c")
    s = lax.axis_index("s")
    pltpu.sync_copy(y2z_hbm.at[pl.ds(c * NPAD + s * RPT, RPT)],
                    acc.at[pl.ds(s * RPT, RPT)])
    plsc.subcore_barrier()
    base = (c * NS + s) * (EPAD // NW)

    def body(g, carry):
        off = pl.multiple_of(base + g * G, G)
        pltpu.sync_copy(src_hbm.at[pl.ds(off, G)], sidx)
        pltpu.sync_copy(dst_hbm.at[pl.ds(off, G)], didx)
        pltpu.async_copy(y2z_hbm.at[sidx], rows, sem).wait()
        pltpu.sync_copy(rows, acc.at[didx], add=True)
        return carry

    lax.fori_loop(0, EPAD // NW // G, body, 0)
    plsc.subcore_barrier()
    pltpu.sync_copy(acc.at[pl.ds(s * RPT, RPT)],
                    out.at[pl.ds(c * NPAD + s * RPT, RPT)])


def _k6_body(p0_ref, p1_ref, dinv_ref, b2_ref, out_ref):
    z = (p0_ref[...] + p1_ref[...]) * dinv_ref[...][:, :F2] + b2_ref[...]
    zm = z - jnp.max(z, axis=1, keepdims=True)
    lse = jnp.log(jnp.sum(jnp.exp(zm), axis=1, keepdims=True))
    out_ref[...] = zm - lse


def _k6_final(pcat, dinv, b2):
    return pl.pallas_call(
        _k6_body,
        grid=(N // R2,),
        in_specs=[
            pl.BlockSpec((R2, F2), lambda j: (j, 0)),
            pl.BlockSpec((R2, F2), lambda j: (NPAD // R2 + j, 0)),
            pl.BlockSpec((R2, F0), lambda j: (j, 0)),
            pl.BlockSpec((1, F2), lambda j: (0, 0)),
        ],
        out_specs=pl.BlockSpec((R2, F2), lambda j: (j, 0)),
        out_shape=jax.ShapeDtypeStruct((N, F2), _f32),
    )(pcat, pcat, dinv, b2)


def kernel(feature_data, edge_info, W1, b1, W2, b2):
    src = edge_info[0].astype(jnp.int32)
    dst = edge_info[1].astype(jnp.int32)
    pad = jnp.full((EPAD - E,), N, dtype=jnp.int32)
    src_p = jnp.concatenate([src, pad])
    dst_p = jnp.concatenate([dst, pad])
    x_p = jnp.pad(feature_data, ((0, NPAD - N), (0, 0)))
    ones16 = jnp.ones((G, 16), dtype=_f32)
    z16 = jnp.zeros((RPT, 16), dtype=_f32)

    src2 = jnp.concatenate([src_p, src_p + NPAD])
    k1, k3, k5 = _sc_kernels()
    dcat = k1(dst_p, ones16, z16)
    d3 = dcat.reshape(2, NPAD, 16)
    dinv, ycat = _k2_prep(x_p, W1, d3, d3)
    scat = k3(src2, dst_p, ycat)
    s3 = scat.reshape(2, NPAD, F0)
    y2z = _k4_mid(s3, dinv, b1.reshape(1, F1), W2)
    pcat = k5(src_p, dst_p, y2z)
    return _k6_final(pcat, dinv, b2.reshape(1, F2))

# --- scband reference (transcript-rebuilt; emitter-appended) ---
"""Pipeline reference for scband-custom-gnn-9079560864629 (READ-ONLY COPY).

The authoritative reference and input builder live on the scoring server;
editing this copy changes nothing except your own understanding.
"""

import jax, jax.numpy as jnp
import numpy as np

N_NODES = 10000


def gcn_conv(x, edge_index, W, b):
    n = x.shape[0]
    src = edge_index[0]
    dst = edge_index[1]
    # add self loops (PyG GCNConv default add_self_loops=True)
    loop = jnp.arange(n, dtype=src.dtype)
    src = jnp.concatenate([src, loop])
    dst = jnp.concatenate([dst, loop])
    # linear transform
    xw = x @ W
    # symmetric normalization D^{-1/2} A_hat D^{-1/2}
    ones = jnp.ones(src.shape[0], dtype=x.dtype)
    deg = jax.ops.segment_sum(ones, dst, num_segments=n)
    dinv = jnp.where(deg > 0, deg ** -0.5, 0.0)
    norm = dinv[src] * dinv[dst]
    msg = xw[src] * norm[:, None]
    out = jax.ops.segment_sum(msg, dst, num_segments=n)
    return out + b


def setup_inputs(seed: int = 0) -> dict:
    key = jax.random.key(seed)
    k1, k2, k3, k4, k5, k6 = jax.random.split(key, 6)
    feature_data = jax.random.normal(k1, (N_NODES, 128), dtype=jnp.float32)
    edge_info = jax.random.randint(k2, (2, 320000), 0, N_NODES, dtype=jnp.int64)
    # GCNConv layer 1: in=128, out=256 (glorot init)
    W1 = jax.random.normal(k3, (128, 256), dtype=jnp.float32) * (2.0 / (128 + 256)) ** 0.5
    b1 = jnp.zeros((256,), dtype=jnp.float32)
    # GCNConv layer 2: in=256, out=128
    W2 = jax.random.normal(k4, (256, 128), dtype=jnp.float32) * (2.0 / (256 + 128)) ** 0.5
    b2 = jnp.zeros((128,), dtype=jnp.float32)
    return {"feature_data": feature_data, "edge_info": edge_info, "W1": W1, "b1": b1, "W2": W2, "b2": b2}


def reference(feature_data, edge_info, W1, b1, W2, b2):
    x = gcn_conv(feature_data, edge_info, W1, b1)
    x = jax.nn.relu(x)
    # F.dropout with training=self.training; reference assumes eval mode -> identity
    x = gcn_conv(x, edge_info, W2, b2)
    return jax.nn.log_softmax(x, axis=1)

if __name__ == "__main__":
    import jax
    _d = setup_inputs()
    print(jax.jit(kernel)(*tuple(_d.values())))

</pallas_src>

<mosaic_0001>
#map = affine_map<(d0, d1) -> (0)>
#map1 = affine_map<(d0, d1) -> (0, 0)>
module attributes {stable_mosaic.version = 14 : i64} {
  func.func @gcn_sc_spmm2(%arg0: i32, %arg1: i32, %arg2: memref<327680xi32, #tpu.memory_space<hbm>>, %arg3: memref<327680xi32, #tpu.memory_space<hbm>>, %arg4: memref<20480x128xf32, #tpu.memory_space<hbm>>, %arg5: memref<20480x128xf32, #tpu.memory_space<hbm>>, %arg6: memref<128xi32, #tpu.memory_space<vmem>>, %arg7: memref<128xi32, #tpu.memory_space<vmem>>, %arg8: memref<128x128xf32, #tpu.memory_space<vmem>>, %arg9: memref<10240x128xf32, #tpu.memory_space<vmem_shared>>, %arg10: memref<!tpu.dma_semaphore, #tpu.memory_space<semaphore_mem>>) attributes {dimension_semantics = [#tpu.dimension_semantics<core_parallel>, #tpu.dimension_semantics<subcore_parallel>], iteration_bounds = array<i64: 2, 16>, scalar_prefetch = 0 : i64, scratch_operands = 5 : i64, tpu.core_type = #tpu.core_type<sc_vector_subcore>, window_params = [{transform_indices = #map}, {transform_indices = #map}, {transform_indices = #map1}, {transform_indices = #map1}]} {
    %mul3A = arith.constant 10240 : i32
    %mul3A_0 = arith.muli %arg0, %mul3A : i32
    %mul3A_1 = arith.constant 640 : i32
    %mul3A_2 = arith.muli %arg1, %mul3A_1 : i32
    %add3A = arith.addi %mul3A_0, %mul3A_2 : i32
    %mul3A_3 = arith.constant 640 : i32
    %mul3A_4 = arith.muli %arg1, %mul3A_3 : i32
    "tpu.region"() ({
      %run_scoped3A = tpu.sem_alloc : memref<!tpu.dma_semaphore, #tpu.memory_space<semaphore_mem>>
      %dma_start3A = arith.constant 0 : i32
      %dma_start3A_23 = tpu.memref_slice %arg9[%mul3A_4, %dma_start3A] : memref<10240x128xf32, #tpu.memory_space<vmem_shared>> -> memref<640x128xf32, #tpu.memory_space<vmem_shared>>
      %dma_start3A_24 = arith.constant 0 : i32
      %dma_start3A_25 = tpu.memref_slice %arg4[%add3A, %dma_start3A_24] : memref<20480x128xf32, #tpu.memory_space<hbm>> -> memref<640x128xf32, #tpu.memory_space<hbm>>
      tpu.enqueue_dma source(%dma_start3A_25 : memref<640x128xf32, #tpu.memory_space<hbm>>) target(%dma_start3A_23 : memref<640x128xf32, #tpu.memory_space<vmem_shared>>) target_semaphore(%run_scoped3A : memref<!tpu.dma_semaphore, #tpu.memory_space<semaphore_mem>>)
      %dma_wait3A = arith.constant 0 : i32
      %dma_wait3A_26 = tpu.memref_slice %arg9[%mul3A_4, %dma_wait3A] : memref<10240x128xf32, #tpu.memory_space<vmem_shared>> -> memref<640x128xf32, #tpu.memory_space<vmem_shared>>
      %dma_wait3A_27 = arith.constant 0 : i32
      %dma_wait3A_28 = tpu.memref_slice %arg4[%add3A, %dma_wait3A_27] : memref<20480x128xf32, #tpu.memory_space<hbm>> -> memref<640x128xf32, #tpu.memory_space<hbm>>
      tpu.wait_dma2 semaphore(%run_scoped3A : memref<!tpu.dma_semaphore, #tpu.memory_space<semaphore_mem>>) src(%dma_wait3A_28 : memref<640x128xf32, #tpu.memory_space<hbm>>) dst(%dma_wait3A_26 : memref<640x128xf32, #tpu.memory_space<vmem_shared>>)
      tpu.yield
    }) : () -> ()
    %barrier3A = arith.constant 0 : index
    tpu.barrier barrier_id(%barrier3A)
    %mul3A_5 = arith.constant 16 : i32
    %mul3A_6 = arith.muli %arg0, %mul3A_5 : i32
    %add3A_7 = arith.addi %mul3A_6, %arg1 : i32
    %mul3A_8 = arith.constant 10240 : i32
    %mul3A_9 = arith.muli %add3A_7, %mul3A_8 : i32
    %scan3A = arith.constant 0 : i32
    %scan3A_10 = arith.constant 0 : i32
    %scan3A_11 = arith.constant 80 : i32
    %scan3A_12 = arith.addi %scan3A_10, %scan3A_11 : i32
    %scan3A_13 = arith.constant 1 : i32
    scf.for %scan3A_23 = %scan3A_10 to %scan3A_12 step %scan3A_13  : i32 {
      %mul3A_24 = arith.constant 128 : i32
      %mul3A_25 = arith.muli %scan3A_23, %mul3A_24 : i32
      %add3A_26 = arith.addi %mul3A_9, %mul3A_25 : i32
      %multiple_of3A = tpu.assume_multiple %add3A_26, 128 : i32
      "tpu.region"() ({
        %run_scoped3A = tpu.sem_alloc : memref<!tpu.dma_semaphore, #tpu.memory_space<semaphore_mem>>
        %dma_start3A_31 = tpu.memref_slice %arg2[%multiple_of3A] : memref<327680xi32, #tpu.memory_space<hbm>> -> memref<128xi32, #tpu.memory_space<hbm>>
        %dma_start3A_32 = tpu.memref_slice %arg2[%multiple_of3A] : memref<327680xi32, #tpu.memory_space<hbm>> -> memref<128xi32, #tpu.memory_space<hbm>>
        tpu.enqueue_dma source(%dma_start3A_32 : memref<128xi32, #tpu.memory_space<hbm>>) target(%arg6 : memref<128xi32, #tpu.memory_space<vmem>>) target_semaphore(%run_scoped3A : memref<!tpu.dma_semaphore, #tpu.memory_space<semaphore_mem>>)
        %dma_wait3A_33 = tpu.memref_slice %arg2[%multiple_of3A] : memref<327680xi32, #tpu.memory_space<hbm>> -> memref<128xi32, #tpu.memory_space<hbm>>
        %dma_wait3A_34 = tpu.memref_slice %arg2[%multiple_of3A] : memref<327680xi32, #tpu.memory_space<hbm>> -> memref<128xi32, #tpu.memory_space<hbm>>
        tpu.wait_dma2 semaphore(%run_scoped3A : memref<!tpu.dma_semaphore, #tpu.memory_space<semaphore_mem>>) src(%dma_wait3A_34 : memref<128xi32, #tpu.memory_space<hbm>>) dst(%arg6 : memref<128xi32, #tpu.memory_space<vmem>>)
        tpu.yield
      }) : () -> ()
      "tpu.region"() ({
        %run_scoped3A = tpu.sem_alloc : memref<!tpu.dma_semaphore, #tpu.memory_space<semaphore_mem>>
        %dma_start3A_31 = tpu.memref_slice %arg3[%multiple_of3A] : memref<327680xi32, #tpu.memory_space<hbm>> -> memref<128xi32, #tpu.memory_space<hbm>>
        %dma_start3A_32 = tpu.memref_slice %arg3[%multiple_of3A] : memref<327680xi32, #tpu.memory_space<hbm>> -> memref<128xi32, #tpu.memory_space<hbm>>
        tpu.enqueue_dma source(%dma_start3A_32 : memref<128xi32, #tpu.memory_space<hbm>>) target(%arg7 : memref<128xi32, #tpu.memory_space<vmem>>) target_semaphore(%run_scoped3A : memref<!tpu.dma_semaphore, #tpu.memory_space<semaphore_mem>>)
        %dma_wait3A_33 = tpu.memref_slice %arg3[%multiple_of3A] : memref<327680xi32, #tpu.memory_space<hbm>> -> memref<128xi32, #tpu.memory_space<hbm>>
        %dma_wait3A_34 = tpu.memref_slice %arg3[%multiple_of3A] : memref<327680xi32, #tpu.memory_space<hbm>> -> memref<128xi32, #tpu.memory_space<hbm>>
        tpu.wait_dma2 semaphore(%run_scoped3A : memref<!tpu.dma_semaphore, #tpu.memory_space<semaphore_mem>>) src(%dma_wait3A_34 : memref<128xi32, #tpu.memory_space<hbm>>) dst(%arg7 : memref<128xi32, #tpu.memory_space<vmem>>)
        tpu.yield
      }) : () -> ()
      %dma_start3A = arith.constant 0 : i32
      %dma_start3A_27 = arith.constant 0 : i32
      %dma_start3A_28 = tpu.memref_slice %arg4[%dma_start3A, %dma_start3A_27] : memref<20480x128xf32, #tpu.memory_space<hbm>> -> memref<20480x128xf32, #tpu.memory_space<hbm>>
      tpu.enqueue_indirect_dma source(%dma_start3A_28 : memref<20480x128xf32, #tpu.memory_space<hbm>>) target(%arg8 : memref<128x128xf32, #tpu.memory_space<vmem>>) offsets(%arg6 : memref<128xi32, #tpu.memory_space<vmem>>) semaphore(%arg10 : memref<!tpu.dma_semaphore, #tpu.memory_space<semaphore_mem>>)
      %dma_wait3A = arith.constant 0 : i32
      %dma_wait3A_29 = arith.constant 0 : i32
      %dma_wait3A_30 = tpu.memref_slice %arg4[%dma_wait3A, %dma_wait3A_29] : memref<20480x128xf32, #tpu.memory_space<hbm>> -> memref<20480x128xf32, #tpu.memory_space<hbm>>
      tpu.wait_indirect_dma semaphore(%arg10 : memref<!tpu.dma_semaphore, #tpu.memory_space<semaphore_mem>>) src(%dma_wait3A_30 : memref<20480x128xf32, #tpu.memory_space<hbm>>) dst(%arg8 : memref<128x128xf32, #tpu.memory_space<vmem>>)
      "tpu.region"() ({
        %run_scoped3A = tpu.sem_alloc : memref<!tpu.dma_semaphore, #tpu.memory_space<semaphore_mem>>
        %dma_start3A_31 = arith.constant 0 : i32
        %dma_start3A_32 = arith.constant 0 : i32
        %dma_start3A_33 = tpu.memref_slice %arg9[%dma_start3A_31, %dma_start3A_32] : memref<10240x128xf32, #tpu.memory_space<vmem_shared>> -> memref<10240x128xf32, #tpu.memory_space<vmem_shared>>
        tpu.enqueue_indirect_dma source(%arg8 : memref<128x128xf32, #tpu.memory_space<vmem>>) target(%dma_start3A_33 : memref<10240x128xf32, #tpu.memory_space<vmem_shared>>) offsets(%arg7 : memref<128xi32, #tpu.memory_space<vmem>>) semaphore(%run_scoped3A : memref<!tpu.dma_semaphore, #tpu.memory_space<semaphore_mem>>) {add = true}
        %dma_wait3A_34 = arith.constant 0 : i32
        %dma_wait3A_35 = arith.constant 0 : i32
        %dma_wait3A_36 = tpu.memref_slice %arg9[%dma_wait3A_34, %dma_wait3A_35] : memref<10240x128xf32, #tpu.memory_space<vmem_shared>> -> memref<10240x128xf32, #tpu.memory_space<vmem_shared>>
        tpu.wait_indirect_dma semaphore(%run_scoped3A : memref<!tpu.dma_semaphore, #tpu.memory_space<semaphore_mem>>) src(%arg8 : memref<128x128xf32, #tpu.memory_space<vmem>>) dst(%dma_wait3A_36 : memref<10240x128xf32, #tpu.memory_space<vmem_shared>>)
        tpu.yield
      }) : () -> ()
    }
    %scan3A_14 = arith.constant 80 : i32
    %barrier3A_15 = arith.constant 0 : index
    tpu.barrier barrier_id(%barrier3A_15)
    %mul3A_16 = arith.constant 640 : i32
    %mul3A_17 = arith.muli %arg1, %mul3A_16 : i32
    %mul3A_18 = arith.constant 10240 : i32
    %mul3A_19 = arith.muli %arg0, %mul3A_18 : i32
    %mul3A_20 = arith.constant 640 : i32
    %mul3A_21 = arith.muli %arg1, %mul3A_20 : i32
    %add3A_22 = arith.addi %mul3A_19, %mul3A_21 : i32
    "tpu.region"() ({
      %run_scoped3A = tpu.sem_alloc : memref<!tpu.dma_semaphore, #tpu.memory_space<semaphore_mem>>
      %dma_start3A = arith.constant 0 : i32
      %dma_start3A_23 = tpu.memref_slice %arg5[%add3A_22, %dma_start3A] : memref<20480x128xf32, #tpu.memory_space<hbm>> -> memref<640x128xf32, #tpu.memory_space<hbm>>
      %dma_start3A_24 = arith.constant 0 : i32
      %dma_start3A_25 = tpu.memref_slice %arg9[%mul3A_17, %dma_start3A_24] : memref<10240x128xf32, #tpu.memory_space<vmem_shared>> -> memref<640x128xf32, #tpu.memory_space<vmem_shared>>
      tpu.enqueue_dma source(%dma_start3A_25 : memref<640x128xf32, #tpu.memory_space<vmem_shared>>) target(%dma_start3A_23 : memref<640x128xf32, #tpu.memory_space<hbm>>) target_semaphore(%run_scoped3A : memref<!tpu.dma_semaphore, #tpu.memory_space<semaphore_mem>>)
      %dma_wait3A = arith.constant 0 : i32
      %dma_wait3A_26 = tpu.memref_slice %arg5[%add3A_22, %dma_wait3A] : memref<20480x128xf32, #tpu.memory_space<hbm>> -> memref<640x128xf32, #tpu.memory_space<hbm>>
      %dma_wait3A_27 = arith.constant 0 : i32
      %dma_wait3A_28 = tpu.memref_slice %arg9[%mul3A_17, %dma_wait3A_27] : memref<10240x128xf32, #tpu.memory_space<vmem_shared>> -> memref<640x128xf32, #tpu.memory_space<vmem_shared>>
      tpu.wait_dma2 semaphore(%run_scoped3A : memref<!tpu.dma_semaphore, #tpu.memory_space<semaphore_mem>>) src(%dma_wait3A_28 : memref<640x128xf32, #tpu.memory_space<vmem_shared>>) dst(%dma_wait3A_26 : memref<640x128xf32, #tpu.memory_space<hbm>>)
      tpu.yield
    }) : () -> ()
    return
  }
}

#map = affine_map<(d0, d1) -> (0)>
#map1 = affine_map<(d0, d1) -> (0, 0)>
module attributes {stable_mosaic.version = 14 : i64} {
  func.func @gcn_sc_hist(%arg0: i32, %arg1: i32, %arg2: memref<327680xi32, #tpu.memory_space<hbm>>, %arg3: memref<128x16xf32, #tpu.memory_space<hbm>>, %arg4: memref<640x16xf32, #tpu.memory_space<hbm>>, %arg5: memref<20480x16xf32, #tpu.memory_space<hbm>>, %arg6: memref<128xi32, #tpu.memory_space<vmem>>, %arg7: memref<128x16xf32, #tpu.memory_space<vmem>>, %arg8: memref<10240x16xf32, #tpu.memory_space<vmem_shared>>) attributes {dimension_semantics = [#tpu.dimension_semantics<core_parallel>, #tpu.dimension_semantics<subcore_parallel>], iteration_bounds = array<i64: 2, 16>, scalar_prefetch = 0 : i64, scratch_operands = 3 : i64, tpu.core_type = #tpu.core_type<sc_vector_subcore>, window_params = [{transform_indices = #map}, {transform_indices = #map1}, {transform_indices = #map1}, {transform_indices = #map1}]} {
    %mul3A = arith.constant 640 : i32
    %mul3A_0 = arith.muli %arg1, %mul3A : i32
    "tpu.region"() ({
      %run_scoped3A = tpu.sem_alloc : memref<!tpu.dma_semaphore, #tpu.memory_space<semaphore_mem>>
      %dma_start3A = arith.constant 0 : i32
      %dma_start3A_18 = tpu.memref_slice %arg8[%mul3A_0, %dma_start3A] : memref<10240x16xf32, #tpu.memory_space<vmem_shared>> -> memref<640x16xf32, #tpu.memory_space<vmem_shared>>
      tpu.enqueue_dma source(%arg4 : memref<640x16xf32, #tpu.memory_space<hbm>>) target(%dma_start3A_18 : memref<640x16xf32, #tpu.memory_space<vmem_shared>>) target_semaphore(%run_scoped3A : memref<!tpu.dma_semaphore, #tpu.memory_space<semaphore_mem>>)
      %dma_wait3A = arith.constant 0 : i32
      %dma_wait3A_19 = tpu.memref_slice %arg8[%mul3A_0, %dma_wait3A] : memref<10240x16xf32, #tpu.memory_space<vmem_shared>> -> memref<640x16xf32, #tpu.memory_space<vmem_shared>>
      tpu.wait_dma2 semaphore(%run_scoped3A : memref<!tpu.dma_semaphore, #tpu.memory_space<semaphore_mem>>) src(%arg4 : memref<640x16xf32, #tpu.memory_space<hbm>>) dst(%dma_wait3A_19 : memref<640x16xf32, #tpu.memory_space<vmem_shared>>)
      tpu.yield
    }) : () -> ()
    "tpu.region"() ({
      %run_scoped3A = tpu.sem_alloc : memref<!tpu.dma_semaphore, #tpu.memory_space<semaphore_mem>>
      tpu.enqueue_dma source(%arg3 : memref<128x16xf32, #tpu.memory_space<hbm>>) target(%arg7 : memref<128x16xf32, #tpu.memory_space<vmem>>) target_semaphore(%run_scoped3A : memref<!tpu.dma_semaphore, #tpu.memory_space<semaphore_mem>>)
      tpu.wait_dma2 semaphore(%run_scoped3A : memref<!tpu.dma_semaphore, #tpu.memory_space<semaphore_mem>>) src(%arg3 : memref<128x16xf32, #tpu.memory_space<hbm>>) dst(%arg7 : memref<128x16xf32, #tpu.memory_space<vmem>>)
      tpu.yield
    }) : () -> ()
    %barrier3A = arith.constant 0 : index
    tpu.barrier barrier_id(%barrier3A)
    %mul3A_1 = arith.constant 16 : i32
    %mul3A_2 = arith.muli %arg0, %mul3A_1 : i32
    %add3A = arith.addi %mul3A_2, %arg1 : i32
    %mul3A_3 = arith.constant 10240 : i32
    %mul3A_4 = arith.muli %add3A, %mul3A_3 : i32
    %scan3A = arith.constant 0 : i32
    %scan3A_5 = arith.constant 0 : i32
    %scan3A_6 = arith.constant 80 : i32
    %scan3A_7 = arith.addi %scan3A_5, %scan3A_6 : i32
    %scan3A_8 = arith.constant 1 : i32
    scf.for %scan3A_18 = %scan3A_5 to %scan3A_7 step %scan3A_8  : i32 {
      %mul3A_19 = arith.constant 128 : i32
      %mul3A_20 = arith.muli %scan3A_18, %mul3A_19 : i32
      %add3A_21 = arith.addi %mul3A_4, %mul3A_20 : i32
      %multiple_of3A = tpu.assume_multiple %add3A_21, 128 : i32
      "tpu.region"() ({
        %run_scoped3A = tpu.sem_alloc : memref<!tpu.dma_semaphore, #tpu.memory_space<semaphore_mem>>
        %dma_start3A = tpu.memref_slice %arg2[%multiple_of3A] : memref<327680xi32, #tpu.memory_space<hbm>> -> memref<128xi32, #tpu.memory_space<hbm>>
        %dma_start3A_22 = tpu.memref_slice %arg2[%multiple_of3A] : memref<327680xi32, #tpu.memory_space<hbm>> -> memref<128xi32, #tpu.memory_space<hbm>>
        tpu.enqueue_dma source(%dma_start3A_22 : memref<128xi32, #tpu.memory_space<hbm>>) target(%arg6 : memref<128xi32, #tpu.memory_space<vmem>>) target_semaphore(%run_scoped3A : memref<!tpu.dma_semaphore, #tpu.memory_space<semaphore_mem>>)
        %dma_wait3A = tpu.memref_slice %arg2[%multiple_of3A] : memref<327680xi32, #tpu.memory_space<hbm>> -> memref<128xi32, #tpu.memory_space<hbm>>
        %dma_wait3A_23 = tpu.memref_slice %arg2[%multiple_of3A] : memref<327680xi32, #tpu.memory_space<hbm>> -> memref<128xi32, #tpu.memory_space<hbm>>
        tpu.wait_dma2 semaphore(%run_scoped3A : memref<!tpu.dma_semaphore, #tpu.memory_space<semaphore_mem>>) src(%dma_wait3A_23 : memref<128xi32, #tpu.memory_space<hbm>>) dst(%arg6 : memref<128xi32, #tpu.memory_space<vmem>>)
        tpu.yield
      }) : () -> ()
      "tpu.region"() ({
        %run_scoped3A = tpu.sem_alloc : memref<!tpu.dma_semaphore, #tpu.memory_space<semaphore_mem>>
        %dma_start3A = arith.constant 0 : i32
        %dma_start3A_22 = arith.constant 0 : i32
        %dma_start3A_23 = tpu.memref_slice %arg8[%dma_start3A, %dma_start3A_22] : memref<10240x16xf32, #tpu.memory_space<vmem_shared>> -> memref<10240x16xf32, #tpu.memory_space<vmem_shared>>
        tpu.enqueue_indirect_dma source(%arg7 : memref<128x16xf32, #tpu.memory_space<vmem>>) target(%dma_start3A_23 : memref<10240x16xf32, #tpu.memory_space<vmem_shared>>) offsets(%arg6 : memref<128xi32, #tpu.memory_space<vmem>>) semaphore(%run_scoped3A : memref<!tpu.dma_semaphore, #tpu.memory_space<semaphore_mem>>) {add = true}
        %dma_wait3A = arith.constant 0 : i32
        %dma_wait3A_24 = arith.constant 0 : i32
        %dma_wait3A_25 = tpu.memref_slice %arg8[%dma_wait3A, %dma_wait3A_24] : memref<10240x16xf32, #tpu.memory_space<vmem_shared>> -> memref<10240x16xf32, #tpu.memory_space<vmem_shared>>
        tpu.wait_indirect_dma semaphore(%run_scoped3A : memref<!tpu.dma_semaphore, #tpu.memory_space<semaphore_mem>>) src(%arg7 : memref<128x16xf32, #tpu.memory_space<vmem>>) dst(%dma_wait3A_25 : memref<10240x16xf32, #tpu.memory_space<vmem_shared>>)
        tpu.yield
      }) : () -> ()
    }
    %scan3A_9 = arith.constant 80 : i32
    %barrier3A_10 = arith.constant 0 : index
    tpu.barrier barrier_id(%barrier3A_10)
    %mul3A_11 = arith.constant 640 : i32
    %mul3A_12 = arith.muli %arg1, %mul3A_11 : i32
    %mul3A_13 = arith.constant 10240 : i32
    %mul3A_14 = arith.muli %arg0, %mul3A_13 : i32
    %mul3A_15 = arith.constant 640 : i32
    %mul3A_16 = arith.muli %arg1, %mul3A_15 : i32
    %add3A_17 = arith.addi %mul3A_14, %mul3A_16 : i32
    "tpu.region"() ({
      %run_scoped3A = tpu.sem_alloc : memref<!tpu.dma_semaphore, #tpu.memory_space<semaphore_mem>>
      %dma_start3A = arith.constant 0 : i32
      %dma_start3A_18 = tpu.memref_slice %arg5[%add3A_17, %dma_start3A] : memref<20480x16xf32, #tpu.memory_space<hbm>> -> memref<640x16xf32, #tpu.memory_space<hbm>>
      %dma_start3A_19 = arith.constant 0 : i32
      %dma_start3A_20 = tpu.memref_slice %arg8[%mul3A_12, %dma_start3A_19] : memref<10240x16xf32, #tpu.memory_space<vmem_shared>> -> memref<640x16xf32, #tpu.memory_space<vmem_shared>>
      tpu.enqueue_dma source(%dma_start3A_20 : memref<640x16xf32, #tpu.memory_space<vmem_shared>>) target(%dma_start3A_18 : memref<640x16xf32, #tpu.memory_space<hbm>>) target_semaphore(%run_scoped3A : memref<!tpu.dma_semaphore, #tpu.memory_space<semaphore_mem>>)
      %dma_wait3A = arith.constant 0 : i32
      %dma_wait3A_21 = tpu.memref_slice %arg5[%add3A_17, %dma_wait3A] : memref<20480x16xf32, #tpu.memory_space<hbm>> -> memref<640x16xf32, #tpu.memory_space<hbm>>
      %dma_wait3A_22 = arith.constant 0 : i32
      %dma_wait3A_23 = tpu.memref_slice %arg8[%mul3A_12, %dma_wait3A_22] : memref<10240x16xf32, #tpu.memory_space<vmem_shared>> -> memref<640x16xf32, #tpu.memory_space<vmem_shared>>
      tpu.wait_dma2 semaphore(%run_scoped3A : memref<!tpu.dma_semaphore, #tpu.memory_space<semaphore_mem>>) src(%dma_wait3A_23 : memref<640x16xf32, #tpu.memory_space<vmem_shared>>) dst(%dma_wait3A_21 : memref<640x16xf32, #tpu.memory_space<hbm>>)
      tpu.yield
    }) : () -> ()
    return
  }
}

#map = affine_map<(d0, d1) -> (0)>
#map1 = affine_map<(d0, d1) -> (0, 0)>
module attributes {stable_mosaic.version = 14 : i64} {
  func.func @gcn_sc_spmm1(%arg0: i32, %arg1: i32, %arg2: memref<655360xi32, #tpu.memory_space<hbm>>, %arg3: memref<327680xi32, #tpu.memory_space<hbm>>, %arg4: memref<20480x128xf32, #tpu.memory_space<hbm>>, %arg5: memref<20480x128xf32, #tpu.memory_space<hbm>>, %arg6: memref<128xi32, #tpu.memory_space<vmem>>, %arg7: memref<128xi32, #tpu.memory_space<vmem>>, %arg8: memref<128x128xf32, #tpu.memory_space<vmem>>, %arg9: memref<10240x128xf32, #tpu.memory_space<vmem_shared>>, %arg10: memref<!tpu.dma_semaphore, #tpu.memory_space<semaphore_mem>>) attributes {dimension_semantics = [#tpu.dimension_semantics<core_parallel>, #tpu.dimension_semantics<subcore_parallel>], iteration_bounds = array<i64: 2, 16>, scalar_prefetch = 0 : i64, scratch_operands = 5 : i64, tpu.core_type = #tpu.core_type<sc_vector_subcore>, window_params = [{transform_indices = #map}, {transform_indices = #map}, {transform_indices = #map1}, {transform_indices = #map1}]} {
    %mul3A = arith.constant 10240 : i32
    %mul3A_0 = arith.muli %arg0, %mul3A : i32
    %mul3A_1 = arith.constant 640 : i32
    %mul3A_2 = arith.muli %arg1, %mul3A_1 : i32
    %add3A = arith.addi %mul3A_0, %mul3A_2 : i32
    %mul3A_3 = arith.constant 640 : i32
    %mul3A_4 = arith.muli %arg1, %mul3A_3 : i32
    "tpu.region"() ({
      %run_scoped3A = tpu.sem_alloc : memref<!tpu.dma_semaphore, #tpu.memory_space<semaphore_mem>>
      %dma_start3A = arith.constant 0 : i32
      %dma_start3A_20 = tpu.memref_slice %arg9[%mul3A_4, %dma_start3A] : memref<10240x128xf32, #tpu.memory_space<vmem_shared>> -> memref<640x128xf32, #tpu.memory_space<vmem_shared>>
      %dma_start3A_21 = arith.constant 0 : i32
      %dma_start3A_22 = tpu.memref_slice %arg4[%add3A, %dma_start3A_21] : memref<20480x128xf32, #tpu.memory_space<hbm>> -> memref<640x128xf32, #tpu.memory_space<hbm>>
      tpu.enqueue_dma source(%dma_start3A_22 : memref<640x128xf32, #tpu.memory_space<hbm>>) target(%dma_start3A_20 : memref<640x128xf32, #tpu.memory_space<vmem_shared>>) target_semaphore(%run_scoped3A : memref<!tpu.dma_semaphore, #tpu.memory_space<semaphore_mem>>)
      %dma_wait3A = arith.constant 0 : i32
      %dma_wait3A_23 = tpu.memref_slice %arg9[%mul3A_4, %dma_wait3A] : memref<10240x128xf32, #tpu.memory_space<vmem_shared>> -> memref<640x128xf32, #tpu.memory_space<vmem_shared>>
      %dma_wait3A_24 = arith.constant 0 : i32
      %dma_wait3A_25 = tpu.memref_slice %arg4[%add3A, %dma_wait3A_24] : memref<20480x128xf32, #tpu.memory_space<hbm>> -> memref<640x128xf32, #tpu.memory_space<hbm>>
      tpu.wait_dma2 semaphore(%run_scoped3A : memref<!tpu.dma_semaphore, #tpu.memory_space<semaphore_mem>>) src(%dma_wait3A_25 : memref<640x128xf32, #tpu.memory_space<hbm>>) dst(%dma_wait3A_23 : memref<640x128xf32, #tpu.memory_space<vmem_shared>>)
      tpu.yield
    }) : () -> ()
    %barrier3A = arith.constant 0 : index
    tpu.barrier barrier_id(%barrier3A)
    %mul3A_5 = arith.constant 20480 : i32
    %mul3A_6 = arith.muli %arg1, %mul3A_5 : i32
    %scan3A = arith.constant 0 : i32
    %scan3A_7 = arith.constant 0 : i32
    %scan3A_8 = arith.constant 160 : i32
    %scan3A_9 = arith.addi %scan3A_7, %scan3A_8 : i32
    %scan3A_10 = arith.constant 1 : i32
    scf.for %scan3A_20 = %scan3A_7 to %scan3A_9 step %scan3A_10  : i32 {
      %mul3A_21 = arith.constant 128 : i32
      %mul3A_22 = arith.muli %scan3A_20, %mul3A_21 : i32
      %add3A_23 = arith.addi %mul3A_6, %mul3A_22 : i32
      %multiple_of3A = tpu.assume_multiple %add3A_23, 128 : i32
      %mul3A_24 = arith.constant 327680 : i32
      %mul3A_25 = arith.muli %arg0, %mul3A_24 : i32
      %add3A_26 = arith.addi %mul3A_25, %multiple_of3A : i32
      "tpu.region"() ({
        %run_scoped3A = tpu.sem_alloc : memref<!tpu.dma_semaphore, #tpu.memory_space<semaphore_mem>>
        %dma_start3A_31 = tpu.memref_slice %arg2[%add3A_26] : memref<655360xi32, #tpu.memory_space<hbm>> -> memref<128xi32, #tpu.memory_space<hbm>>
        %dma_start3A_32 = tpu.memref_slice %arg2[%add3A_26] : memref<655360xi32, #tpu.memory_space<hbm>> -> memref<128xi32, #tpu.memory_space<hbm>>
        tpu.enqueue_dma source(%dma_start3A_32 : memref<128xi32, #tpu.memory_space<hbm>>) target(%arg6 : memref<128xi32, #tpu.memory_space<vmem>>) target_semaphore(%run_scoped3A : memref<!tpu.dma_semaphore, #tpu.memory_space<semaphore_mem>>)
        %dma_wait3A_33 = tpu.memref_slice %arg2[%add3A_26] : memref<655360xi32, #tpu.memory_space<hbm>> -> memref<128xi32, #tpu.memory_space<hbm>>
        %dma_wait3A_34 = tpu.memref_slice %arg2[%add3A_26] : memref<655360xi32, #tpu.memory_space<hbm>> -> memref<128xi32, #tpu.memory_space<hbm>>
        tpu.wait_dma2 semaphore(%run_scoped3A : memref<!tpu.dma_semaphore, #tpu.memory_space<semaphore_mem>>) src(%dma_wait3A_34 : memref<128xi32, #tpu.memory_space<hbm>>) dst(%arg6 : memref<128xi32, #tpu.memory_space<vmem>>)
        tpu.yield
      }) : () -> ()
      "tpu.region"() ({
        %run_scoped3A = tpu.sem_alloc : memref<!tpu.dma_semaphore, #tpu.memory_space<semaphore_mem>>
        %dma_start3A_31 = tpu.memref_slice %arg3[%multiple_of3A] : memref<327680xi32, #tpu.memory_space<hbm>> -> memref<128xi32, #tpu.memory_space<hbm>>
        %dma_start3A_32 = tpu.memref_slice %arg3[%multiple_of3A] : memref<327680xi32, #tpu.memory_space<hbm>> -> memref<128xi32, #tpu.memory_space<hbm>>
        tpu.enqueue_dma source(%dma_start3A_32 : memref<128xi32, #tpu.memory_space<hbm>>) target(%arg7 : memref<128xi32, #tpu.memory_space<vmem>>) target_semaphore(%run_scoped3A : memref<!tpu.dma_semaphore, #tpu.memory_space<semaphore_mem>>)
        %dma_wait3A_33 = tpu.memref_slice %arg3[%multiple_of3A] : memref<327680xi32, #tpu.memory_space<hbm>> -> memref<128xi32, #tpu.memory_space<hbm>>
        %dma_wait3A_34 = tpu.memref_slice %arg3[%multiple_of3A] : memref<327680xi32, #tpu.memory_space<hbm>> -> memref<128xi32, #tpu.memory_space<hbm>>
        tpu.wait_dma2 semaphore(%run_scoped3A : memref<!tpu.dma_semaphore, #tpu.memory_space<semaphore_mem>>) src(%dma_wait3A_34 : memref<128xi32, #tpu.memory_space<hbm>>) dst(%arg7 : memref<128xi32, #tpu.memory_space<vmem>>)
        tpu.yield
      }) : () -> ()
      %dma_start3A = arith.constant 0 : i32
      %dma_start3A_27 = arith.constant 0 : i32
      %dma_start3A_28 = tpu.memref_slice %arg4[%dma_start3A, %dma_start3A_27] : memref<20480x128xf32, #tpu.memory_space<hbm>> -> memref<20480x128xf32, #tpu.memory_space<hbm>>
      tpu.enqueue_indirect_dma source(%dma_start3A_28 : memref<20480x128xf32, #tpu.memory_space<hbm>>) target(%arg8 : memref<128x128xf32, #tpu.memory_space<vmem>>) offsets(%arg6 : memref<128xi32, #tpu.memory_space<vmem>>) semaphore(%arg10 : memref<!tpu.dma_semaphore, #tpu.memory_space<semaphore_mem>>)
      %dma_wait3A = arith.constant 0 : i32
      %dma_wait3A_29 = arith.constant 0 : i32
      %dma_wait3A_30 = tpu.memref_slice %arg4[%dma_wait3A, %dma_wait3A_29] : memref<20480x128xf32, #tpu.memory_space<hbm>> -> memref<20480x128xf32, #tpu.memory_space<hbm>>
      tpu.wait_indirect_dma semaphore(%arg10 : memref<!tpu.dma_semaphore, #tpu.memory_space<semaphore_mem>>) src(%dma_wait3A_30 : memref<20480x128xf32, #tpu.memory_space<hbm>>) dst(%arg8 : memref<128x128xf32, #tpu.memory_space<vmem>>)
      "tpu.region"() ({
        %run_scoped3A = tpu.sem_alloc : memref<!tpu.dma_semaphore, #tpu.memory_space<semaphore_mem>>
        %dma_start3A_31 = arith.constant 0 : i32
        %dma_start3A_32 = arith.constant 0 : i32
        %dma_start3A_33 = tpu.memref_slice %arg9[%dma_start3A_31, %dma_start3A_32] : memref<10240x128xf32, #tpu.memory_space<vmem_shared>> -> memref<10240x128xf32, #tpu.memory_space<vmem_shared>>
        tpu.enqueue_indirect_dma source(%arg8 : memref<128x128xf32, #tpu.memory_space<vmem>>) target(%dma_start3A_33 : memref<10240x128xf32, #tpu.memory_space<vmem_shared>>) offsets(%arg7 : memref<128xi32, #tpu.memory_space<vmem>>) semaphore(%run_scoped3A : memref<!tpu.dma_semaphore, #tpu.memory_space<semaphore_mem>>) {add = true}
        %dma_wait3A_34 = arith.constant 0 : i32
        %dma_wait3A_35 = arith.constant 0 : i32
        %dma_wait3A_36 = tpu.memref_slice %arg9[%dma_wait3A_34, %dma_wait3A_35] : memref<10240x128xf32, #tpu.memory_space<vmem_shared>> -> memref<10240x128xf32, #tpu.memory_space<vmem_shared>>
        tpu.wait_indirect_dma semaphore(%run_scoped3A : memref<!tpu.dma_semaphore, #tpu.memory_space<semaphore_mem>>) src(%arg8 : memref<128x128xf32, #tpu.memory_space<vmem>>) dst(%dma_wait3A_36 : memref<10240x128xf32, #tpu.memory_space<vmem_shared>>)
        tpu.yield
      }) : () -> ()
    }
    %scan3A_11 = arith.constant 160 : i32
    %barrier3A_12 = arith.constant 0 : index
    tpu.barrier barrier_id(%barrier3A_12)
    %mul3A_13 = arith.constant 640 : i32
    %mul3A_14 = arith.muli %arg1, %mul3A_13 : i32
    %mul3A_15 = arith.constant 10240 : i32
    %mul3A_16 = arith.muli %arg0, %mul3A_15 : i32
    %mul3A_17 = arith.constant 640 : i32
    %mul3A_18 = arith.muli %arg1, %mul3A_17 : i32
    %add3A_19 = arith.addi %mul3A_16, %mul3A_18 : i32
    "tpu.region"() ({
      %run_scoped3A = tpu.sem_alloc : memref<!tpu.dma_semaphore, #tpu.memory_space<semaphore_mem>>
      %dma_start3A = arith.constant 0 : i32
      %dma_start3A_20 = tpu.memref_slice %arg5[%add3A_19, %dma_start3A] : memref<20480x128xf32, #tpu.memory_space<hbm>> -> memref<640x128xf32, #tpu.memory_space<hbm>>
      %dma_start3A_21 = arith.constant 0 : i32
      %dma_start3A_22 = tpu.memref_slice %arg9[%mul3A_14, %dma_start3A_21] : memref<10240x128xf32, #tpu.memory_space<vmem_shared>> -> memref<640x128xf32, #tpu.memory_space<vmem_shared>>
      tpu.enqueue_dma source(%dma_start3A_22 : memref<640x128xf32, #tpu.memory_space<vmem_shared>>) target(%dma_start3A_20 : memref<640x128xf32, #tpu.memory_space<hbm>>) target_semaphore(%run_scoped3A : memref<!tpu.dma_semaphore, #tpu.memory_space<semaphore_mem>>)
      %dma_wait3A = arith.constant 0 : i32
      %dma_wait3A_23 = tpu.memref_slice %arg5[%add3A_19, %dma_wait3A] : memref<20480x128xf32, #tpu.memory_space<hbm>> -> memref<640x128xf32, #tpu.memory_space<hbm>>
      %dma_wait3A_24 = arith.constant 0 : i32
      %dma_wait3A_25 = tpu.memref_slice %arg9[%mul3A_14, %dma_wait3A_24] : memref<10240x128xf32, #tpu.memory_space<vmem_shared>> -> memref<640x128xf32, #tpu.memory_space<vmem_shared>>
      tpu.wait_dma2 semaphore(%run_scoped3A : memref<!tpu.dma_semaphore, #tpu.memory_space<semaphore_mem>>) src(%dma_wait3A_25 : memref<640x128xf32, #tpu.memory_space<vmem_shared>>) dst(%dma_wait3A_23 : memref<640x128xf32, #tpu.memory_space<hbm>>)
      tpu.yield
    }) : () -> ()
    return
  }
}

module attributes {stable_mosaic.version = 14 : i64} {
  func.func @_k2_body(%arg0: i32, %arg1: i32, %arg2: memref<640x128xf32, #tpu.memory_space<vmem>>, %arg3: memref<128x128xf32, #tpu.memory_space<vmem>>, %arg4: memref<1x640x16xf32, #tpu.memory_space<vmem>>, %arg5: memref<1x640x16xf32, #tpu.memory_space<vmem>>, %arg6: memref<640x128xf32, #tpu.memory_space<vmem>>, %arg7: memref<640x128xf32, #tpu.memory_space<vmem>>) attributes {dimension_semantics = [#tpu.dimension_semantics<arbitrary>, #tpu.dimension_semantics<arbitrary>], iteration_bounds = array<i64: 16, 2>, scalar_prefetch = 0 : i64, scratch_operands = 0 : i64, tpu.core_type = #tpu.core_type<tc>, window_params = [{transform_indices = @transform_0, window_bounds = array<i64: 640, 128>}, {transform_indices = @transform_1, window_bounds = array<i64: 128, 128>}, {transform_indices = @transform_2, window_bounds = array<i64: 1, 640, 16>}, {transform_indices = @transform_3, window_bounds = array<i64: 1, 640, 16>}, {transform_indices = @transform_4, window_bounds = array<i64: 640, 128>}, {transform_indices = @transform_5, window_bounds = array<i64: 640, 128>}]} {
    %get3A = arith.constant 0 : index
    %get3A_0 = arith.constant 0 : index
    %get3A_1 = arith.constant 0 : index
    %get3A_2 = vector.load %arg4[%get3A, %get3A_0, %get3A_1] : memref<1x640x16xf32, #tpu.memory_space<vmem>>, vector<1x640x16xf32>
    %get3A_3 = vector.shape_cast %get3A_2 : vector<1x640x16xf32> to vector<640x16xf32>
    %slice3A = vector.extract_strided_slice %get3A_3 {offsets = [0, 0], sizes = [640, 1], strides = [1, 1]} : vector<640x16xf32> to vector<640x1xf32>
    %get3A_4 = arith.constant 0 : index
    %get3A_5 = arith.constant 0 : index
    %get3A_6 = arith.constant 0 : index
    %get3A_7 = vector.load %arg5[%get3A_4, %get3A_5, %get3A_6] : memref<1x640x16xf32, #tpu.memory_space<vmem>>, vector<1x640x16xf32>
    %get3A_8 = vector.shape_cast %get3A_7 : vector<1x640x16xf32> to vector<640x16xf32>
    %slice3A_9 = vector.extract_strided_slice %get3A_8 {offsets = [0, 0], sizes = [640, 1], strides = [1, 1]} : vector<640x16xf32> to vector<640x1xf32>
    %add3A = arith.addf %slice3A, %slice3A_9 : vector<640x1xf32>
    %add3A_10 = arith.constant 1.000000e+00 : f32
    %add3A_11 = vector.broadcast %add3A_10 : f32 to vector<640x1xf32>
    %add3A_12 = arith.addf %add3A, %add3A_11 : vector<640x1xf32>
    %rsqrt3A = math.rsqrt %add3A_12 : vector<640x1xf32>
    %get3A_13 = arith.constant 0 : index
    %get3A_14 = arith.constant 0 : index
    %get3A_15 = vector.load %arg2[%get3A_13, %get3A_14] : memref<640x128xf32, #tpu.memory_space<vmem>>, vector<640x128xf32>
    %get3A_16 = arith.constant 0 : index
    %get3A_17 = arith.constant 0 : index
    %get3A_18 = vector.load %arg3[%get3A_16, %get3A_17] : memref<128x128xf32, #tpu.memory_space<vmem>>, vector<128x128xf32>
    %dot_general3A = arith.constant dense<0.000000e+00> : vector<640x128xf32>
    %dot_general3A_19 = tpu.matmul %get3A_15, %get3A_18, %dot_general3A {dimension_numbers = #tpu.dot_dimension_numbers<[1], [0], [0], [1], [0, 0, 1, 1], [], []>, transpose_lhs_hint = false} : vector<640x128xf32>, vector<128x128xf32>, vector<640x128xf32> -> vector<640x128xf32>
    %mul3A = vector.broadcast %rsqrt3A : vector<640x1xf32> to vector<640x128xf32>
    %mul3A_20 = arith.mulf %dot_general3A_19, %mul3A : vector<640x128xf32>
    %swap3A = arith.constant 0 : index
    %swap3A_21 = arith.constant 0 : index
    %swap3A_22 = vector.load %arg7[%swap3A, %swap3A_21] : memref<640x128xf32, #tpu.memory_space<vmem>>, vector<640x128xf32>
    tpu.vector_store %arg7[%swap3A, %swap3A_21], %mul3A_20 {strides = array<i32>} : memref<640x128xf32, #tpu.memory_space<vmem>>, vector<640x128xf32>,
    %broadcast_in_dim3A = vector.shape_cast %rsqrt3A : vector<640x1xf32> to vector<640x1xf32>
    %broadcast_in_dim3A_23 = vector.broadcast %broadcast_in_dim3A : vector<640x1xf32> to vector<640x128xf32>
    %swap3A_24 = arith.constant 0 : index
    %swap3A_25 = arith.constant 0 : index
    %swap3A_26 = vector.load %arg6[%swap3A_24, %swap3A_25] : memref<640x128xf32, #tpu.memory_space<vmem>>, vector<640x128xf32>
    tpu.vector_store %arg6[%swap3A_24, %swap3A_25], %broadcast_in_dim3A_23 {strides = array<i32>} : memref<640x128xf32, #tpu.memory_space<vmem>>, vector<640x128xf32>,
    return
  }
  func.func @transform_0(%arg0: i32, %arg1: i32) -> (i32, i32) {
    %c0_i32 = arith.constant 0 : i32
    %c0_i32_0 = arith.constant 0 : i32
    return %arg0, %c0_i32 : i32, i32
  }
  func.func @transform_1(%arg0: i32, %arg1: i32) -> (i32, i32) {
    %c0_i32 = arith.constant 0 : i32
    %c0_i32_0 = arith.constant 0 : i32
    return %c0_i32, %arg1 : i32, i32
  }
  func.func @transform_2(%arg0: i32, %arg1: i32) -> (i32, i32, i32) {
    %c0_i32 = arith.constant 0 : i32
    %c0_i32_0 = arith.constant 0 : i32
    %c0_i32_1 = arith.constant 0 : i32
    return %c0_i32, %arg0, %c0_i32_0 : i32, i32, i32
  }
  func.func @transform_3(%arg0: i32, %arg1: i32) -> (i32, i32, i32) {
    %c1_i32 = arith.constant 1 : i32
    %c0_i32 = arith.constant 0 : i32
    %c0_i32_0 = arith.constant 0 : i32
    return %c1_i32, %arg0, %c0_i32 : i32, i32, i32
  }
  func.func @transform_4(%arg0: i32, %arg1: i32) -> (i32, i32) {
    %c0_i32 = arith.constant 0 : i32
    %c0_i32_0 = arith.constant 0 : i32
    return %arg0, %c0_i32 : i32, i32
  }
  func.func @transform_5(%arg0: i32, %arg1: i32) -> (i32, i32) {
    %mul3A = arith.constant 16 : i32
    %mul3A_0 = arith.muli %arg1, %mul3A : i32
    %add3A = arith.addi %mul3A_0, %arg0 : i32
    %c0_i32 = arith.constant 0 : i32
    %c0_i32_1 = arith.constant 0 : i32
    return %add3A, %c0_i32 : i32, i32
  }
}

module attributes {stable_mosaic.version = 14 : i64} {
  func.func @_k4_body(%arg0: i32, %arg1: i32, %arg2: memref<1x640x128xf32, #tpu.memory_space<vmem>>, %arg3: memref<1x640x128xf32, #tpu.memory_space<vmem>>, %arg4: memref<640x128xf32, #tpu.memory_space<vmem>>, %arg5: memref<1x256xf32, #tpu.memory_space<vmem>>, %arg6: memref<256x128xf32, #tpu.memory_space<vmem>>, %arg7: memref<640x128xf32, #tpu.memory_space<vmem>>) attributes {dimension_semantics = [#tpu.dimension_semantics<arbitrary>, #tpu.dimension_semantics<arbitrary>], iteration_bounds = array<i64: 16, 2>, scalar_prefetch = 0 : i64, scratch_operands = 0 : i64, tpu.core_type = #tpu.core_type<tc>, window_params = [{transform_indices = @transform_0, window_bounds = array<i64: 1, 640, 128>}, {transform_indices = @transform_1, window_bounds = array<i64: 1, 640, 128>}, {transform_indices = @transform_2, window_bounds = array<i64: 640, 128>}, {pipeline_mode = #tpu.pipeline_mode<synchronous>, transform_indices = @transform_3, window_bounds = array<i64: 1, 256>}, {pipeline_mode = #tpu.pipeline_mode<synchronous>, transform_indices = @transform_4, window_bounds = array<i64: 256, 128>}, {transform_indices = @transform_5, window_bounds = array<i64: 640, 128>}]} {
    %get3A = arith.constant 0 : index
    %get3A_0 = arith.constant 0 : index
    %get3A_1 = vector.load %arg4[%get3A, %get3A_0] : memref<640x128xf32, #tpu.memory_space<vmem>>, vector<640x128xf32>
    %get3A_2 = arith.constant 0 : index
    %get3A_3 = arith.constant 0 : index
    %get3A_4 = vector.load %arg5[%get3A_2, %get3A_3] : memref<1x256xf32, #tpu.memory_space<vmem>>, vector<1x256xf32>
    %get3A_5 = arith.constant 0 : index
    %get3A_6 = arith.constant 0 : index
    %get3A_7 = arith.constant 0 : index
    %get3A_8 = vector.load %arg2[%get3A_5, %get3A_6, %get3A_7] : memref<1x640x128xf32, #tpu.memory_space<vmem>>, vector<1x640x128xf32>
    %get3A_9 = vector.shape_cast %get3A_8 : vector<1x640x128xf32> to vector<640x128xf32>
    %mul3A = arith.mulf %get3A_9, %get3A_1 : vector<640x128xf32>
    %slice3A = vector.extract_strided_slice %get3A_4 {offsets = [0, 0], sizes = [1, 128], strides = [1, 1]} : vector<1x256xf32> to vector<1x128xf32>
    %add3A = vector.broadcast %slice3A : vector<1x128xf32> to vector<640x128xf32>
    %add3A_10 = arith.addf %mul3A, %add3A : vector<640x128xf32>
    %max3A = arith.constant 0.000000e+00 : f32
    %max3A_11 = vector.broadcast %max3A : f32 to vector<640x128xf32>
    %max3A_12 = arith.maximumf %add3A_10, %max3A_11 : vector<640x128xf32>
    %get3A_13 = arith.constant 0 : index
    %get3A_14 = arith.constant 0 : index
    %get3A_15 = arith.constant 0 : index
    %get3A_16 = vector.load %arg3[%get3A_13, %get3A_14, %get3A_15] : memref<1x640x128xf32, #tpu.memory_space<vmem>>, vector<1x640x128xf32>
    %get3A_17 = vector.shape_cast %get3A_16 : vector<1x640x128xf32> to vector<640x128xf32>
    %mul3A_18 = arith.mulf %get3A_17, %get3A_1 : vector<640x128xf32>
    %slice3A_19 = vector.extract_strided_slice %get3A_4 {offsets = [0, 128], sizes = [1, 128], strides = [1, 1]} : vector<1x256xf32> to vector<1x128xf32>
    %add3A_20 = vector.broadcast %slice3A_19 : vector<1x128xf32> to vector<640x128xf32>
    %add3A_21 = arith.addf %mul3A_18, %add3A_20 : vector<640x128xf32>
    %max3A_22 = arith.constant 0.000000e+00 : f32
    %max3A_23 = vector.broadcast %max3A_22 : f32 to vector<640x128xf32>
    %max3A_24 = arith.maximumf %add3A_21, %max3A_23 : vector<640x128xf32>
    %get3A_25 = arith.constant 0 : index
    %get3A_26 = arith.constant 0 : index
    %get3A_27 = vector.load %arg6[%get3A_25, %get3A_26] : memref<256x128xf32, #tpu.memory_space<vmem>>, vector<256x128xf32>
    %slice3A_28 = vector.extract_strided_slice %get3A_27 {offsets = [0, 0], sizes = [128, 128], strides = [1, 1]} : vector<256x128xf32> to vector<128x128xf32>
    %dot_general3A = arith.constant dense<0.000000e+00> : vector<640x128xf32>
    %dot_general3A_29 = tpu.matmul %max3A_12, %slice3A_28, %dot_general3A {dimension_numbers = #tpu.dot_dimension_numbers<[1], [0], [0], [1], [0, 0, 1, 1], [], []>, transpose_lhs_hint = false} : vector<640x128xf32>, vector<128x128xf32>, vector<640x128xf32> -> vector<640x128xf32>
    %slice3A_30 = vector.extract_strided_slice %get3A_27 {offsets = [128, 0], sizes = [128, 128], strides = [1, 1]} : vector<256x128xf32> to vector<128x128xf32>
    %dot_general3A_31 = arith.constant dense<0.000000e+00> : vector<640x128xf32>
    %dot_general3A_32 = tpu.matmul %max3A_24, %slice3A_30, %dot_general3A_31 {dimension_numbers = #tpu.dot_dimension_numbers<[1], [0], [0], [1], [0, 0, 1, 1], [], []>, transpose_lhs_hint = false} : vector<640x128xf32>, vector<128x128xf32>, vector<640x128xf32> -> vector<640x128xf32>
    %add3A_33 = arith.addf %dot_general3A_29, %dot_general3A_32 : vector<640x128xf32>
    %mul3A_34 = arith.constant 640 : i32
    %mul3A_35 = arith.muli %arg0, %mul3A_34 : i32
    %iota3A = tpu.iota {dimensions = array<i32: 0>} : vector<640x128xi32>
    %add3A_36 = vector.broadcast %mul3A_35 : i32 to vector<640x128xi32>
    %add3A_37 = arith.addi %add3A_36, %iota3A : vector<640x128xi32>
    %lt3A = arith.constant 10000 : i32
    %lt3A_38 = vector.broadcast %lt3A : i32 to vector<640x128xi32>
    %lt3A_39 = arith.cmpi slt, %add3A_37, %lt3A_38 : vector<640x128xi32>
    %eq3A = arith.constant 0 : i32
    %eq3A_40 = arith.cmpi eq, %arg1, %eq3A : i32
    %and3A = vector.broadcast %eq3A_40 : i1 to vector<640x128xi1>
    %and3A_41 = arith.andi %lt3A_39, %and3A : vector<640x128xi1>
    %mul3A_42 = arith.mulf %add3A_33, %get3A_1 : vector<640x128xf32>
    %jit3A = arith.constant 0.000000e+00 : f32
    %broadcast_in_dim3A = vector.broadcast %jit3A : f32 to vector<640x128xf32>
    %select_n3A = arith.select %and3A_41, %mul3A_42, %broadcast_in_dim3A : vector<640x128xi1>, vector<640x128xf32>
    %swap3A = arith.constant 0 : index
    %swap3A_43 = arith.constant 0 : index
    %swap3A_44 = vector.load %arg7[%swap3A, %swap3A_43] : memref<640x128xf32, #tpu.memory_space<vmem>>, vector<640x128xf32>
    tpu.vector_store %arg7[%swap3A, %swap3A_43], %select_n3A {strides = array<i32>} : memref<640x128xf32, #tpu.memory_space<vmem>>, vector<640x128xf32>,
    return
  }
  func.func @transform_0(%arg0: i32, %arg1: i32) -> (i32, i32, i32) {
    %c0_i32 = arith.constant 0 : i32
    %c0_i32_0 = arith.constant 0 : i32
    %c0_i32_1 = arith.constant 0 : i32
    return %c0_i32, %arg0, %c0_i32_0 : i32, i32, i32
  }
  func.func @transform_1(%arg0: i32, %arg1: i32) -> (i32, i32, i32) {
    %c1_i32 = arith.constant 1 : i32
    %c0_i32 = arith.constant 0 : i32
    %c0_i32_0 = arith.constant 0 : i32
    return %c1_i32, %arg0, %c0_i32 : i32, i32, i32
  }
  func.func @transform_2(%arg0: i32, %arg1: i32) -> (i32, i32) {
    %c0_i32 = arith.constant 0 : i32
    %c0_i32_0 = arith.constant 0 : i32
    return %arg0, %c0_i32 : i32, i32
  }
  func.func @transform_3(%arg0: i32, %arg1: i32) -> (i32, i32) {
    %c0_i32 = arith.constant 0 : i32
    %c0_i32_0 = arith.constant 0 : i32
    %c0_i32_1 = arith.constant 0 : i32
    return %c0_i32, %c0_i32_0 : i32, i32
  }
  func.func @transform_4(%arg0: i32, %arg1: i32) -> (i32, i32) {
    %c0_i32 = arith.constant 0 : i32
    %c0_i32_0 = arith.constant 0 : i32
    %c0_i32_1 = arith.constant 0 : i32
    return %c0_i32, %c0_i32_0 : i32, i32
  }
  func.func @transform_5(%arg0: i32, %arg1: i32) -> (i32, i32) {
    %mul3A = arith.constant 16 : i32
    %mul3A_0 = arith.muli %arg1, %mul3A : i32
    %add3A = arith.addi %mul3A_0, %arg0 : i32
    %c0_i32 = arith.constant 0 : i32
    %c0_i32_1 = arith.constant 0 : i32
    return %add3A, %c0_i32 : i32, i32
  }
}

module attributes {stable_mosaic.version = 14 : i64} {
  func.func @_k6_body(%arg0: i32, %arg1: memref<80x128xf32, #tpu.memory_space<vmem>>, %arg2: memref<80x128xf32, #tpu.memory_space<vmem>>, %arg3: memref<80x128xf32, #tpu.memory_space<vmem>>, %arg4: memref<1x128xf32, #tpu.memory_space<vmem>>, %arg5: memref<80x128xf32, #tpu.memory_space<vmem>>) attributes {dimension_semantics = [#tpu.dimension_semantics<arbitrary>], iteration_bounds = array<i64: 125>, scalar_prefetch = 0 : i64, scratch_operands = 0 : i64, tpu.core_type = #tpu.core_type<tc>, window_params = [{transform_indices = @transform_0, window_bounds = array<i64: 80, 128>}, {transform_indices = @transform_1, window_bounds = array<i64: 80, 128>}, {transform_indices = @transform_2, window_bounds = array<i64: 80, 128>}, {pipeline_mode = #tpu.pipeline_mode<synchronous>, transform_indices = @transform_3, window_bounds = array<i64: 1, 128>}, {transform_indices = @transform_4, window_bounds = array<i64: 80, 128>}]} {
    %get3A = arith.constant 0 : index
    %get3A_0 = arith.constant 0 : index
    %get3A_1 = vector.load %arg1[%get3A, %get3A_0] : memref<80x128xf32, #tpu.memory_space<vmem>>, vector<80x128xf32>
    %get3A_2 = arith.constant 0 : index
    %get3A_3 = arith.constant 0 : index
    %get3A_4 = vector.load %arg2[%get3A_2, %get3A_3] : memref<80x128xf32, #tpu.memory_space<vmem>>, vector<80x128xf32>
    %add3A = arith.addf %get3A_1, %get3A_4 : vector<80x128xf32>
    %get3A_5 = arith.constant 0 : index
    %get3A_6 = arith.constant 0 : index
    %get3A_7 = vector.load %arg3[%get3A_5, %get3A_6] : memref<80x128xf32, #tpu.memory_space<vmem>>, vector<80x128xf32>
    %mul3A = arith.mulf %add3A, %get3A_7 : vector<80x128xf32>
    %get3A_8 = arith.constant 0 : index
    %get3A_9 = arith.constant 0 : index
    %get3A_10 = vector.load %arg4[%get3A_8, %get3A_9] : memref<1x128xf32, #tpu.memory_space<vmem>>, vector<1x128xf32>
    %add3A_11 = vector.broadcast %get3A_10 : vector<1x128xf32> to vector<80x128xf32>
    %add3A_12 = arith.addf %mul3A, %add3A_11 : vector<80x128xf32>
    %reduce_max3A = arith.constant dense<0xFF800000> : vector<80xf32>
    %reduce_max3A_13 = vector.multi_reduction <maximumf>, %add3A_12, %reduce_max3A [1] : vector<80x128xf32> to vector<80xf32>
    %broadcast_in_dim3A = vector.shape_cast %reduce_max3A_13 : vector<80xf32> to vector<80x1xf32>
    %sub3A = vector.broadcast %broadcast_in_dim3A : vector<80x1xf32> to vector<80x128xf32>
    %sub3A_14 = arith.subf %add3A_12, %sub3A : vector<80x128xf32>
    %exp3A = math.exp %sub3A_14 : vector<80x128xf32>
    %reduce_sum3A = arith.constant dense<0.000000e+00> : vector<80xf32>
    %reduce_sum3A_15 = vector.multi_reduction <add>, %exp3A, %reduce_sum3A [1] : vector<80x128xf32> to vector<80xf32>
    %broadcast_in_dim3A_16 = vector.shape_cast %reduce_sum3A_15 : vector<80xf32> to vector<80x1xf32>
    %log3A = math.log %broadcast_in_dim3A_16 : vector<80x1xf32>
    %sub3A_17 = vector.broadcast %log3A : vector<80x1xf32> to vector<80x128xf32>
    %sub3A_18 = arith.subf %sub3A_14, %sub3A_17 : vector<80x128xf32>
    %swap3A = arith.constant 0 : index
    %swap3A_19 = arith.constant 0 : index
    %swap3A_20 = vector.load %arg5[%swap3A, %swap3A_19] : memref<80x128xf32, #tpu.memory_space<vmem>>, vector<80x128xf32>
    tpu.vector_store %arg5[%swap3A, %swap3A_19], %sub3A_18 {strides = array<i32>} : memref<80x128xf32, #tpu.memory_space<vmem>>, vector<80x128xf32>,
    return
  }
  func.func @transform_0(%arg0: i32) -> (i32, i32) {
    %c0_i32 = arith.constant 0 : i32
    %c0_i32_0 = arith.constant 0 : i32
    return %arg0, %c0_i32 : i32, i32
  }
  func.func @transform_1(%arg0: i32) -> (i32, i32) {
    %add3A = arith.constant 128 : i32
    %add3A_0 = arith.addi %add3A, %arg0 : i32
    %c0_i32 = arith.constant 0 : i32
    %c0_i32_1 = arith.constant 0 : i32
    return %add3A_0, %c0_i32 : i32, i32
  }
  func.func @transform_2(%arg0: i32) -> (i32, i32) {
    %c0_i32 = arith.constant 0 : i32
    %c0_i32_0 = arith.constant 0 : i32
    return %arg0, %c0_i32 : i32, i32
  }
  func.func @transform_3(%arg0: i32) -> (i32, i32) {
    %c0_i32 = arith.constant 0 : i32
    %c0_i32_0 = arith.constant 0 : i32
    %c0_i32_1 = arith.constant 0 : i32
    return %c0_i32, %c0_i32_0 : i32, i32
  }
  func.func @transform_4(%arg0: i32) -> (i32, i32) {
    %c0_i32 = arith.constant 0 : i32
    %c0_i32_0 = arith.constant 0 : i32
    return %arg0, %c0_i32 : i32, i32
  }
}

</mosaic_0001>

<sc_bundles>
// kernel: gcn_sc_hist.3.cloned.1.call-start
scs
__scs_entry_jumppad:
0x0: {  	(pc) =	sbr.rel $0x88, $3  }
0x1: {  	(tag) =	ssettag $0x0;
	lr =	simm.s32 $0x1  }
0x2: {  	[smem:$0x3F9B] =	sst lr;
	_ =	strace $0xD0000000  }
0x3: {  	_ = 	snop  }
0x4: {  	_ = 	snop  }
0x5: {  	_ = 	snop  }
0x6: {  	_ = 	snop  }
0x7: {  	_ = 	snop  }
__scs_overlays_trampoline_lowered:
0x8: {  	[smem:$0x3FAA] =	sst s0  }
0x9: {  	[smem:$0x3FAB] =	sst s1  }
0xa: {  	[smem:$0x3FAC] =	sst s2  }
0xb: {  	[smem:$0x3FAD] =	sst s3  }
0xc: {  	[smem:$0x3FAE] =	sst s4  }
0xd: {  	[smem:$0x3FAF] =	sst s5  }
0xe: {  	[smem:$0x3FB0] =	sst s6  }
0xf: {  	[smem:$0x3FB1] =	sst s7  }
0x10: {  	[smem:$0x3FB2] =	sst s8  }
0x11: {  	[smem:$0x3FB3] =	sst s9;
	s0 =	simm.s32 @!p0 $0x0  }
0x12: {  	s1 =	sld [smem:$0x3F99];
	s0 =	simm.s32 @p0 $0x1  }
0x13: {  	[smem:$0x3FB4] =	sst s0;
	s0 =	simm.s32 @!p1 $0x0  }
0x14: {  	s2 =	sld [smem:$0x3F98];
	s0 =	simm.s32 @p1 $0x1  }
0x15: {  	[smem:$0x3FB5] =	sst s0;
	s0 =	simm.s32 @!p2 $0x0  }
0x16: {  	s3 =	sld [smem:$0x3FDB];
	s0 =	simm.s32 @p2 $0x1  }
0x17: {  	s4 =	simm.s32 $0x1BF5;
	[smem:$0x3FB7] =	sst s0  }
0x18: {  	s0 =	sld [smem:$0x3F9A];
	_ =	swait.ge [sflag:s4], $0x0  }
0x19: {  	s7 =	sld [smem:$0x3F9B]  }
0x1a: {  	s8 =	sadd.s32 $0xFFFFE003, lr  }
0x1b: {  	s9 =	sadd.s32 $0xFFFFFEF7, lr;
	s5 =	simm.s32 $0xFFFFFFFF;
	p2 =	slt.u32 s8, $0xFFFFF086  }
0x1c: {  	p1 =	slt.u32 s9, $0xF7A;
	s5 =	simm.s32 @!p2 $0x0  }
0x1d: {  	s5 =	simm.s32 @p1 $0x1;
	p0 =	seq.s32 s7, s2  }
0x1e: {  	s7 =	smul.u32 @!p0 $0xF7A, s2;
	p2 =	seq.s32 @!p0 s5, $0x0  }
0x1f: {  	s9 =	smul.u32 $0xF7A, s1;
	s8 =	simm.s32 @!p0 $0x1BF5;
	p2 =	por !p2, p0  }
0x20: {  	[sflag:s8] =	ssyncset.s32 @!p0 $0xFFFFF086;
	s6 =	sadd.s32 @!p0 s3, s7;
	s7 =	simm.s32 @!p0 $0x108  }
0x21: {  	s3 =	sadd.s32 s3, s9;
	s6 =	sadd.s32 @!p0 $0x88, s6;
	s7 =	simm.s32 @p2 $0x1082  }
0x22: {  	[simem:s7], [sflag:s8] =	dma.local @!p0 [hbm:s6], $0xF7A  }
0x23: {  	s9 =	sor.u32 $0xD0000000, s2;
	s6 =	simm.s32 $0x108;
	_ =	swait.ge @!p0 [sflag:s8], $0x0  }
0x24: {  	s3 =	sadd.s32 $0x88, s3;
	s6 =	simm.s32 @!p1 $0x1082;
	[sflag:s4] =	ssyncset.s32 $0xFFFFF086  }
0x25: {  	[simem:s6], [sflag:s4] =	dma.local [hbm:s3], $0xF7A  }
0x26: {  	[smem:$0x3F9B] =	sst s1;
	(tag) =	ssettag s2;
	_ =	strace s9  }
0x27: {  	s1 =	sld [smem:$0x3FAB]  }
0x28: {  	s2 =	sld [smem:$0x3FAC]  }
0x29: {  	s4 =	sld [smem:$0x3FAE]  }
0x2a: {  	p0 =	seq.s32 s5, $0x0;
	s5 =	sld [smem:$0x3FAF]  }
0x2b: {  	s6 =	sld [smem:$0x3FB0]  }
0x2c: {  	s7 =	sld [smem:$0x3FB1]  }
0x2d: {  	s3 =	simm.s32 $0x108;
	s8 =	sld [smem:$0x3FB2]  }
0x2e: {  	s3 =	simm.s32 @!p0 $0x1082;
	s9 =	sld [smem:$0x3FB3]  }
0x2f: {  	lr =	sadd.s32 s0, s3;
	s0 =	sld [smem:$0x3FAA]  }
0x30: {  	s3 =	sld [smem:$0x3FAD]  }
0x31: {  	[smem:$0x3FB6] =	sst s10  }
0x32: {  	s10 =	sld [smem:$0x3FB4];
	_ =	sdelay $0x3  }
0x33: {  	p0 =	seq.s32 s10, $0x1;
	s10 =	sld [smem:$0x3FB6];
	_ =	sdelay $0x3  }
0x34: {  	[smem:$0x3FB6] =	sst s10  }
0x35: {  	s10 =	sld [smem:$0x3FB5];
	_ =	sdelay $0x3  }
0x36: {  	p1 =	seq.s32 s10, $0x1;
	s10 =	sld [smem:$0x3FB6];
	_ =	sdelay $0x3  }
0x37: {  	[smem:$0x3FB6] =	sst s10  }
0x38: {  	s10 =	sld [smem:$0x3FB7]  }
0x39: {  	_ = 	snop;
	(pc) =	sbr.ind lr, $3  }
0x3a: {  	_ = 	snop  }
0x3b: {  	_ = 	snop  }
0x3c: {  	p2 =	seq.s32 s10, $0x1;
	s10 =	sld [smem:$0x3FB6]  }
0x3d: {  	_ =	shalt  }
0x3e: {  	_ =	shalt  }
0x3f: {  	_ =	shalt  }
0x40: {  	_ =	shalt  }
0x41: {  	_ =	shalt  }
0x42: {  	_ =	shalt  }
0x43: {  	_ =	shalt  }
0x44: {  	_ =	shalt  }
0x45: {  	_ =	shalt  }
0x46: {  	_ =	shalt  }
0x47: {  	_ =	shalt  }
0x48: {  	_ =	shalt  }
0x49: {  	_ =	shalt  }
0x4a: {  	_ =	shalt  }
0x4b: {  	_ =	shalt  }
0x4c: {  	_ =	shalt  }
0x4d: {  	_ =	shalt  }
0x4e: {  	_ =	shalt  }
0x4f: {  	_ =	shalt  }
0x50: {  	_ =	shalt  }
0x51: {  	_ =	shalt  }
0x52: {  	_ =	shalt  }
0x53: {  	_ =	shalt  }
0x54: {  	_ =	shalt  }
0x55: {  	_ =	shalt  }
0x56: {  	_ =	shalt  }
0x57: {  	_ =	shalt  }
0x58: {  	_ =	shalt  }
0x59: {  	_ =	shalt  }
0x5a: {  	_ =	shalt  }
0x5b: {  	_ =	shalt  }
0x5c: {  	_ =	shalt  }
0x5d: {  	_ =	shalt  }
0x5e: {  	_ =	shalt  }
0x5f: {  	_ =	shalt  }
0x60: {  	_ =	shalt  }
0x61: {  	_ =	shalt  }
0x62: {  	_ =	shalt  }
0x63: {  	_ =	shalt  }
0x64: {  	_ =	shalt  }
0x65: {  	_ =	shalt  }
0x66: {  	_ =	shalt  }
0x67: {  	_ =	shalt  }
0x68: {  	_ =	shalt  }
0x69: {  	_ =	shalt  }
0x6a: {  	_ =	shalt  }
0x6b: {  	_ =	shalt  }
0x6c: {  	_ =	shalt  }
0x6d: {  	_ =	shalt  }
0x6e: {  	_ =	shalt  }
0x6f: {  	_ =	shalt  }
0x70: {  	_ =	shalt  }
0x71: {  	_ =	shalt  }
0x72: {  	_ =	shalt  }
0x73: {  	_ =	shalt  }
0x74: {  	_ =	shalt  }
0x75: {  	_ =	shalt  }
0x76: {  	_ =	shalt  }
0x77: {  	_ =	shalt  }
0x78: {  	_ =	shalt  }
0x79: {  	_ =	shalt  }
0x7a: {  	_ =	shalt  }
0x7b: {  	_ =	shalt  }
0x7c: {  	_ =	shalt  }
0x7d: {  	_ =	shalt  }
0x7e: {  	_ =	shalt  }
0x7f: {  	_ =	shalt  }
0x80: {  	_ =	shalt  }
0x81: {  	_ =	shalt  }
0x82: {  	_ =	shalt  }
0x83: {  	_ =	shalt  }
0x84: {  	_ =	shalt  }
0x85: {  	_ =	shalt  }
0x86: {  	_ =	shalt  }
0x87: {  	_ =	shalt  }
.Lfunc_end0:
.L_simem_size_0:
called_computation_lowered:
.L_overlay_start_0:
0x88: {  	s2 =	sld [smem:$0x3FD9]  }
0x89: {  	s3 =	sld [smem:$0x3FFE];
	_ =	sdelay $0x1  }
0x8a: {  	s1 =	srdreg.scid  }
0x8b: {  	s0 =	sand.u32 $0x1, s1  }
0x8c: {  	s16 =	sshll.u32 s0, $0xA;
	s2 =	sadd.s32 s3, s2  }
0x8d: {  	s2 =	sadd.s32 s2, s16  }
0x8e: {  	[smem:$0x3FC2] =	sst s2  }
0x8f: {  	_ = 	snop  }
0x90: {  	(tm) =	ssettm $0x1  }
0x91: {  	s17 =	sld [smem:$0x3FFB];
	_ =	sdelay $0x3  }
0x92: {  	_ =	strace s17  }
0x93: {  	s2 =	sld [smem:$0x3FFC];
	_ =	sdelay $0x3  }
0x94: {  	_ =	strace s2  }
0x95: {  	s2 =	sld [smem:$0x3FFD];
	_ =	sdelay $0x3  }
0x96: {  	_ =	strace s2  }
0x97: {  	_ =	strace $0x8FFFFFFF  }
0x98: {  	s18 =	sld [smem:$0x3FDB];
	_ =	sdelay $0x1  }
0x99: {  	s19 =	simm.s32 $_scs_section_size  }
0x9a: {  	s4 =	simm.s32 $_size__tile_overlayer_lowered;
	s5 =	simm.s32 $_tile_overlayer_lowered  }
0x9b: {  	s22 =	simm.s32 $0x1BFF;
	s21 =	sshll.u32 s5, $0x1;
	s2 =	sadd.s32 s19, s18  }
0x9c: {  	s6 =	simm.s32 $0x0;
	s20 =	sshll.u32 s4, $0x1;
	s4 =	sadd.s32 s21, s2  }
0x9d: {  	[timem:s6], [sflag:s22] =	dma.local [hbm:s4], s20  }
0x9e: {  	_ =	swait.ge [sflag:s22], s20  }
0x9f: {  	s3 =	ssub.s32 $0x0, s20;
	[sflag:s22] =	ssyncset.done $0x0  }
0xa0: {  	[sflag:s22] =	ssyncadd.s32 s3;
	_ =	sdelay $0x1  }
0xa1: {  	s23 =	simm.s32 $0x1B8B  }
0xa2: {  	_ =	swait.ge [sflag:s23], $0x1  }
0xa3: {  	[sflag:s23] =	ssyncset.done $0x0  }
0xa4: {  	s25 =	simm.s32 $0x1B8E;
	s24 =	sld [smem:$0x3FFE];
	[sflag:s23] =	ssyncadd.s32 $0xFFFFFFFF  }
0xa5: {  	s26 =	simm.s32 $execute0_lowered;
	[smem:$0x3FD2] =	sst s25  }
0xa6: {  	s4 =	sshll.u32 s26, $0x1;
	_ =	strace $0x80000046;
	[dreg:$0x1] =	wrdreg $0xFFFFFFFF  }
0xa7: {  	s28 =	simm.s32 $_size_execute0_lowered;
	s2 =	sadd.s32 s2, s4;
	[dreg:$0x0] =	wrdreg $0x0  }
0xa8: {  	s4 =	sshll.u32 s28, $0x1;
	[dreg:$0x2] =	wrdreg s2  }
0xa9: {  	[dreg:$0x3] =	wrdreg s4  }
0xaa: {  	[dreg:$0x4] =	wrdreg $0xC0  }
0xab: {  	_ =	task [dreg:s6], $0x5FFFF  }
0xac: {  	[dreg:$0x1] =	wrdreg $0xFFFFFFFF  }
0xad: {  	[dreg:$0x0] =	wrdreg $0x60  }
0xae: {  	[dreg:$0x2] =	wrdreg s24  }
0xaf: {  	[dreg:$0x3] =	wrdreg $0x40800  }
0xb0: {  	[dreg:$0x4] =	wrdreg $0x9  }
0xb1: {  	_ =	task.clear_ibuf [dreg:s6], $0x5FFFF;
	_ =	strace $0x90000046  }
0xb2: {  	s29 =	simm.s32 $0x9;
	_ =	strace $0x80000048  }
0xb3: {  	_ =	swait.ge [sflag:s29], $0x1  }
0xb4: {  	[sflag:s29] =	ssyncadd.s32 $0xFFFFFFFF  }
0xb5: {  	_ =	strace $0x90000048  }
0xb6: {  	_ =	sfence  }
0xb7: {  	s30 =	sld [smem:$0x0];
	_ =	sdelay $0x2  }
0xb8: {  	s31 =	sshll.u32 s1, $0xD;
	s1 =	sshrl.u32 s1, $0x2  }
0xb9: {  	s3 =	sand.u32 $0x4000, s31;
	s1 =	sadd.s32 s1, s30  }
0xba: {  	s0 =	sor.u32 s3, s0;
	s1 =	sshll.u32 s1, $0x11  }
0xbb: {  	s0 =	sor.u32 s1, s0  }
0xbc: {  	s0 =	sadd.s32 $0x8F2B, s0  }
0xbd: {  	[sflag:s0] =	ssyncadd.remote.s32 $0x1  }
0xbe: {  	_ =	sfence.sel $0xFFFF  }
0xbf: {  	[dreg:$0x0] =	wrdreg $0xFFFFFFFF;
	(pc) =	sbr.abs _section_cstart, $3  }
0xc0: {  	[dreg:$0x1] =	wrdreg $0xFFFFFFFF  }
0xc1: {  	_ =	task.clear_ibuf [dreg:s6], $0x2FFFF;
	_ =	strace $0x9FFFFFFF  }
0xc2: {  	(tm) =	ssettm $0x7FFFFFFF  }
0xc3: {  	_ =	shalt  }
tec
execute0_lowered:
.L_overlay_start_1:
0x0: {  	(tag) =	ssettag $0x1  }
0x1: {  	s6 =	rddreg [dreg:$0x0];
	s1 =	stileid.u32  }
0x2: {  	s0 =	srdreg.scid;
	s5 =	smul.u32 $0x2800, s1  }
0x3: {  	s2 =	rddreg [dreg:$0x1];
	s3 =	simm.s32 $0x0;
	s10 =	smul.u32 $0x50000, s1  }
0x4: {  	s7 =	sand.u32 $0x1, s0;
	s0 =	rddreg [dreg:$0x2];
	s11 =	smul.u32 $0x500, s1  }
0x5: {  	s13 =	simm.s32 $0x0;
	[smem:$0x7FF] =	sst s3;
	s4 =	smul.u32 $0x5000, s7  }
0x6: {  	s31 =	sshll.u32 s1, $0x6;
	s8 =	smul.u32 $0x28000, s7;
	s30 =	ssub.s32 $0x2, s7  }
0x7: {  	_ =	strace $0x80000047;
	s7 =	sshrl.u32 s30, $0x1;
	s10 =	sshrl.u32 s10, $0x2  }
0x8: {  	s9 =	sadd.s32 s4, s6;
	s4 =	sadd.s32 $0xBE00, s6;
	s8 =	sadd.s32 s5, s8  }
0x9: {  	s5 =	sadd.s32 $0xC600, s6;
	s12 =	ssub.s32 s30, s7;
	s10 =	sadd.s32 s10, s2  }
0xa: {  	s8 =	sadd.s32 s8, s6;
	s6 =	sor.u32 $0x1C01, s31;
	s9 =	sadd.s32 s11, s9  }
0xb: {  	s10 =	sshrl.u32 s10, $0x3;
	s11 =	simm.s32 $0x1;
	s7 =	sadd.s32 $0xEE00, s8  }
0xc: {  	s8 =	smax.u32 s12, $0x1;
	s9 =	sadd.s32 $0x1E00, s9;
	s12 =	simm.s32 $0x80  }
.LBB2_1:
0xd: {  	[spmem:s10], [sflag:s6] =	dma.local [hbm:s5], $0x2800  }
0xe: {  	_ =	swait.ge [sflag:s11], $0x2800  }
0xf: {  	[sflag:s11] =	ssyncset.done $0x0  }
0x10: {  	[sflag:s11] =	ssyncadd.s32 $0xFFFFD800  }
0x11: {  	[tilespmem:s12], [sflag:$0x1] =	stream.linear.gather [hbm4b:s4+s3], $0x4000, $0x38;
	[tilespmem:$0x6880] =	vst v63  }
0x12: {  	_ =	swait.ge [sflag:s11], $0x4000  }
0x13: {  	[sflag:s11] =	ssyncset.done $0x0  }
0x14: {  	[sflag:s11] =	ssyncadd.s32 $0xFFFFC000  }
0x15: {  	s14 =	sadd.s32 $0x0, s9;
	[bflag:$0x0] =	sbarrier.arrive $0xFFFF  }
0x16: {  	[tilespmem:s3], [sflag:$0x1] =	stream.linear.gather [hbm4b:s14+s3], $0x80, $0x38;
	[tilespmem:$0x6880] =	vst v63  }
0x17: {  	_ =	swait.ge [sflag:s11], $0x80  }
0x18: {  	[sflag:s11] =	ssyncset.done $0x0  }
0x19: {  	[sflag:s11] =	ssyncadd.s32 $0xFFFFFF80  }
0x1a: {  	[spmem:s2] =	stream.indirect.scatter.add.f32 [tilespmem:s12], [sflag:$0x1], $0x10, s3, s12, $0xb8;
	[tilespmem:$0x6880] =	vst v63  }
0x1b: {  	_ =	swait.ge [sflag:s11], $0x800  }
0x1c: {  	s15 =	simm.s32 $0x20;
	s14 =	simm.s32 $0x10;
	[sflag:s11] =	ssyncset.done $0x0  }
.LBB2_2:
0x1d: {  	s16 =	sadd.s32 s14, s9  }
0x1e: {  	[sflag:s11] =	ssyncadd.s32 $0xFFFFF800;
	s14 =	smov.u32 s15;
	s17 =	sadd.s32 $0x10, s15  }
0x1f: {  	[tilespmem:s3], [sflag:$0x1] =	stream.linear.gather [hbm4b:s16+s3], $0x80, $0x38;
	[tilespmem:$0x6880] =	vst v63  }
0x20: {  	p0 =	sne.s32 s15, $0x4F0;
	_ =	swait.ge [sflag:s11], $0x80  }
.Ltmp0:
0x21: {  	[sflag:s11] =	ssyncset.done $0x0;
	(pc) =	sbr.rel @p0 .LBB2_2-.Ltmp0, $4  }
0x22: {  	[sflag:s11] =	ssyncadd.s32 $0xFFFFFF80  }
0x23: {  	[spmem:s2] =	stream.indirect.scatter.add.f32 [tilespmem:s12], [sflag:$0x1], $0x10, s3, s12, $0xb8;
	[tilespmem:$0x6880] =	vst v63  }
0x24: {  	_ =	swait.ge [sflag:s11], $0x800  }
0x25: {  	s15 =	smov.u32 s17;
	[sflag:s11] =	ssyncset.done $0x0  }
0x26: {  	s14 =	sadd.s32 s14, s9;
	[sflag:s11] =	ssyncadd.s32 $0xFFFFF800  }
0x27: {  	[tilespmem:s3], [sflag:$0x1] =	stream.linear.gather [hbm4b:s14+s3], $0x80, $0x38;
	[tilespmem:$0x6880] =	vst v63  }
0x28: {  	_ =	swait.ge [sflag:s11], $0x80  }
0x29: {  	[sflag:s11] =	ssyncset.done $0x0  }
0x2a: {  	[sflag:s11] =	ssyncadd.s32 $0xFFFFFF80  }
0x2b: {  	[spmem:s2] =	stream.indirect.scatter.add.f32 [tilespmem:s12], [sflag:$0x1], $0x10, s3, s12, $0xb8;
	[tilespmem:$0x6880] =	vst v63  }
0x2c: {  	_ =	swait.ge [sflag:s11], $0x800  }
0x2d: {  	s13 =	sadd.s32 $0x1, s13;
	[sflag:s11] =	ssyncset.done $0x0  }
0x2e: {  	p0 =	sne.s32 s13, s8;
	[sflag:s11] =	ssyncadd.s32 $0xFFFFF800  }
.Ltmp1:
0x2f: {  	[bflag:$0x0] =	sbarrier.arrive $0xFFFF;
	(pc) =	sbr.rel @p0 .LBB2_1-.Ltmp1, $4  }
0x30: {  	[hbm:s7], [sflag:s6] =	dma.local [spmem:s10], $0x2800  }
0x31: {  	_ =	swait.ge [sflag:s11], $0x2800  }
0x32: {  	[sflag:s11] =	ssyncset.done $0x0  }
0x33: {  	[sflag:s11] =	ssyncadd.s32 $0xFFFFD800  }
0x34: {  	_ =	sfence.sel $0x180000  }
0x35: {  	[bflag:$0x0] =	sbarrier.arrive $0xFFFF  }
0x36: {  	p0 =	sne.s32 s1, $0x0;
	_ =	strace $0x90000047  }
0x37: {  	s0 =	sadd.s32 @!p0 $0x100000, s0;
	[bflag:$0x2] =	sbarrier.arrive $0xFFFF  }
0x38: {  	[sflag:s0] =	ssyncadd.tile.s32 @!p0 $0x1;
	_ =	shalt  }
.Lfunc_end2:
_tile_overlayer_lowered:
.L_overlay_start_2:
0x39: {  	(tag) =	ssettag $0x2  }
0x3a: {  	s0 =	rddreg [dreg:$0x0];
	s2 =	stileid.u32  }
0x3b: {  	s1 =	rddreg [dreg:$0x1];
	p0 =	sne.s32 s2, $0x0  }
0x3c: {  	s3 =	rddreg [dreg:$0x2];
	[bflag:$0x3] =	sbarrier.arrive $0xFFFF;
	s2 =	simm.s32 @!p0 $0x1C01  }
0x3d: {  	[timem:s3], [sflag:s2] =	dma.local @!p0 [hbm:s0], s1  }
0x3e: {  	s0 =	simm.s32 @!p0 $0x1  }
0x3f: {  	_ =	swait.ge @!p0 [sflag:s0], s1  }
0x40: {  	s1 =	ssub.s32 @!p0 $0x0, s1;
	[sflag:s0] =	ssyncset.done @!p0 $0x0  }
0x41: {  	[sflag:s0] =	ssyncadd.s32 @!p0 s1  }
0x42: {  	[bflag:$0x3] =	sbarrier.arrive $0xFFFF  }
0x43: {  	_ =	shalt  }

// kernel: gcn_sc_spmm1.3.cloned.1.call-start
scs
__scs_entry_jumppad:
0x0: {  	(pc) =	sbr.rel $0x88, $3  }
0x1: {  	(tag) =	ssettag $0x0;
	lr =	simm.s32 $0x1  }
0x2: {  	[smem:$0x3F9B] =	sst lr;
	_ =	strace $0xD0000000  }
0x3: {  	_ = 	snop  }
0x4: {  	_ = 	snop  }
0x5: {  	_ = 	snop  }
0x6: {  	_ = 	snop  }
0x7: {  	_ = 	snop  }
__scs_overlays_trampoline_lowered:
0x8: {  	[smem:$0x3FAA] =	sst s0  }
0x9: {  	[smem:$0x3FAB] =	sst s1  }
0xa: {  	[smem:$0x3FAC] =	sst s2  }
0xb: {  	[smem:$0x3FAD] =	sst s3  }
0xc: {  	[smem:$0x3FAE] =	sst s4  }
0xd: {  	[smem:$0x3FAF] =	sst s5  }
0xe: {  	[smem:$0x3FB0] =	sst s6  }
0xf: {  	[smem:$0x3FB1] =	sst s7  }
0x10: {  	[smem:$0x3FB2] =	sst s8  }
0x11: {  	[smem:$0x3FB3] =	sst s9;
	s0 =	simm.s32 @!p0 $0x0  }
0x12: {  	s1 =	sld [smem:$0x3F99];
	s0 =	simm.s32 @p0 $0x1  }
0x13: {  	[smem:$0x3FB4] =	sst s0;
	s0 =	simm.s32 @!p1 $0x0  }
0x14: {  	s2 =	sld [smem:$0x3F98];
	s0 =	simm.s32 @p1 $0x1  }
0x15: {  	[smem:$0x3FB5] =	sst s0;
	s0 =	simm.s32 @!p2 $0x0  }
0x16: {  	s3 =	sld [smem:$0x3FDB];
	s0 =	simm.s32 @p2 $0x1  }
0x17: {  	s4 =	simm.s32 $0x1BF5;
	[smem:$0x3FB7] =	sst s0  }
0x18: {  	s0 =	sld [smem:$0x3F9A];
	_ =	swait.ge [sflag:s4], $0x0  }
0x19: {  	s7 =	sld [smem:$0x3F9B]  }
0x1a: {  	s8 =	sadd.s32 $0xFFFFE003, lr  }
0x1b: {  	s9 =	sadd.s32 $0xFFFFFEF7, lr;
	s5 =	simm.s32 $0xFFFFFFFF;
	p2 =	slt.u32 s8, $0xFFFFF086  }
0x1c: {  	p1 =	slt.u32 s9, $0xF7A;
	s5 =	simm.s32 @!p2 $0x0  }
0x1d: {  	s5 =	simm.s32 @p1 $0x1;
	p0 =	seq.s32 s7, s2  }
0x1e: {  	s7 =	smul.u32 @!p0 $0xF7A, s2;
	p2 =	seq.s32 @!p0 s5, $0x0  }
0x1f: {  	s9 =	smul.u32 $0xF7A, s1;
	s8 =	simm.s32 @!p0 $0x1BF5;
	p2 =	por !p2, p0  }
0x20: {  	[sflag:s8] =	ssyncset.s32 @!p0 $0xFFFFF086;
	s6 =	sadd.s32 @!p0 s3, s7;
	s7 =	simm.s32 @!p0 $0x108  }
0x21: {  	s3 =	sadd.s32 s3, s9;
	s6 =	sadd.s32 @!p0 $0x88, s6;
	s7 =	simm.s32 @p2 $0x1082  }
0x22: {  	[simem:s7], [sflag:s8] =	dma.local @!p0 [hbm:s6], $0xF7A  }
0x23: {  	s9 =	sor.u32 $0xD0000000, s2;
	s6 =	simm.s32 $0x108;
	_ =	swait.ge @!p0 [sflag:s8], $0x0  }
0x24: {  	s3 =	sadd.s32 $0x88, s3;
	s6 =	simm.s32 @!p1 $0x1082;
	[sflag:s4] =	ssyncset.s32 $0xFFFFF086  }
0x25: {  	[simem:s6], [sflag:s4] =	dma.local [hbm:s3], $0xF7A  }
0x26: {  	[smem:$0x3F9B] =	sst s1;
	(tag) =	ssettag s2;
	_ =	strace s9  }
0x27: {  	s1 =	sld [smem:$0x3FAB]  }
0x28: {  	s2 =	sld [smem:$0x3FAC]  }
0x29: {  	s4 =	sld [smem:$0x3FAE]  }
0x2a: {  	p0 =	seq.s32 s5, $0x0;
	s5 =	sld [smem:$0x3FAF]  }
0x2b: {  	s6 =	sld [smem:$0x3FB0]  }
0x2c: {  	s7 =	sld [smem:$0x3FB1]  }
0x2d: {  	s3 =	simm.s32 $0x108;
	s8 =	sld [smem:$0x3FB2]  }
0x2e: {  	s3 =	simm.s32 @!p0 $0x1082;
	s9 =	sld [smem:$0x3FB3]  }
0x2f: {  	lr =	sadd.s32 s0, s3;
	s0 =	sld [smem:$0x3FAA]  }
0x30: {  	s3 =	sld [smem:$0x3FAD]  }
0x31: {  	[smem:$0x3FB6] =	sst s10  }
0x32: {  	s10 =	sld [smem:$0x3FB4];
	_ =	sdelay $0x3  }
0x33: {  	p0 =	seq.s32 s10, $0x1;
	s10 =	sld [smem:$0x3FB6];
	_ =	sdelay $0x3  }
0x34: {  	[smem:$0x3FB6] =	sst s10  }
0x35: {  	s10 =	sld [smem:$0x3FB5];
	_ =	sdelay $0x3  }
0x36: {  	p1 =	seq.s32 s10, $0x1;
	s10 =	sld [smem:$0x3FB6];
	_ =	sdelay $0x3  }
0x37: {  	[smem:$0x3FB6] =	sst s10  }
0x38: {  	s10 =	sld [smem:$0x3FB7]  }
0x39: {  	_ = 	snop;
	(pc) =	sbr.ind lr, $3  }
0x3a: {  	_ = 	snop  }
0x3b: {  	_ = 	snop  }
0x3c: {  	p2 =	seq.s32 s10, $0x1;
	s10 =	sld [smem:$0x3FB6]  }
0x3d: {  	_ =	shalt  }
0x3e: {  	_ =	shalt  }
0x3f: {  	_ =	shalt  }
0x40: {  	_ =	shalt  }
0x41: {  	_ =	shalt  }
0x42: {  	_ =	shalt  }
0x43: {  	_ =	shalt  }
0x44: {  	_ =	shalt  }
0x45: {  	_ =	shalt  }
0x46: {  	_ =	shalt  }
0x47: {  	_ =	shalt  }
0x48: {  	_ =	shalt  }
0x49: {  	_ =	shalt  }
0x4a: {  	_ =	shalt  }
0x4b: {  	_ =	shalt  }
0x4c: {  	_ =	shalt  }
0x4d: {  	_ =	shalt  }
0x4e: {  	_ =	shalt  }
0x4f: {  	_ =	shalt  }
0x50: {  	_ =	shalt  }
0x51: {  	_ =	shalt  }
0x52: {  	_ =	shalt  }
0x53: {  	_ =	shalt  }
0x54: {  	_ =	shalt  }
0x55: {  	_ =	shalt  }
0x56: {  	_ =	shalt  }
0x57: {  	_ =	shalt  }
0x58: {  	_ =	shalt  }
0x59: {  	_ =	shalt  }
0x5a: {  	_ =	shalt  }
0x5b: {  	_ =	shalt  }
0x5c: {  	_ =	shalt  }
0x5d: {  	_ =	shalt  }
0x5e: {  	_ =	shalt  }
0x5f: {  	_ =	shalt  }
0x60: {  	_ =	shalt  }
0x61: {  	_ =	shalt  }
0x62: {  	_ =	shalt  }
0x63: {  	_ =	shalt  }
0x64: {  	_ =	shalt  }
0x65: {  	_ =	shalt  }
0x66: {  	_ =	shalt  }
0x67: {  	_ =	shalt  }
0x68: {  	_ =	shalt  }
0x69: {  	_ =	shalt  }
0x6a: {  	_ =	shalt  }
0x6b: {  	_ =	shalt  }
0x6c: {  	_ =	shalt  }
0x6d: {  	_ =	shalt  }
0x6e: {  	_ =	shalt  }
0x6f: {  	_ =	shalt  }
0x70: {  	_ =	shalt  }
0x71: {  	_ =	shalt  }
0x72: {  	_ =	shalt  }
0x73: {  	_ =	shalt  }
0x74: {  	_ =	shalt  }
0x75: {  	_ =	shalt  }
0x76: {  	_ =	shalt  }
0x77: {  	_ =	shalt  }
0x78: {  	_ =	shalt  }
0x79: {  	_ =	shalt  }
0x7a: {  	_ =	shalt  }
0x7b: {  	_ =	shalt  }
0x7c: {  	_ =	shalt  }
0x7d: {  	_ =	shalt  }
0x7e: {  	_ =	shalt  }
0x7f: {  	_ =	shalt  }
0x80: {  	_ =	shalt  }
0x81: {  	_ =	shalt  }
0x82: {  	_ =	shalt  }
0x83: {  	_ =	shalt  }
0x84: {  	_ =	shalt  }
0x85: {  	_ =	shalt  }
0x86: {  	_ =	shalt  }
0x87: {  	_ =	shalt  }
.Lfunc_end0:
.L_simem_size_0:
called_computation.1_lowered:
.L_overlay_start_0:
0x88: {  	s2 =	sld [smem:$0x3FD9]  }
0x89: {  	s3 =	sld [smem:$0x3FFE];
	_ =	sdelay $0x1  }
0x8a: {  	s1 =	srdreg.scid  }
0x8b: {  	s0 =	sand.u32 $0x1, s1  }
0x8c: {  	s17 =	sshll.u32 s0, $0xA;
	s2 =	sadd.s32 s3, s2  }
0x8d: {  	s2 =	sadd.s32 s2, s17  }
0x8e: {  	[smem:$0x3FC2] =	sst s2  }
0x8f: {  	_ = 	snop  }
0x90: {  	s2 =	sld [smem:$0x3FD0];
	(tm) =	ssettm $0x1  }
0x91: {  	s18 =	sld [smem:$0x3FFB];
	_ =	sdelay $0x3  }
0x92: {  	_ =	strace s18  }
0x93: {  	s3 =	sld [smem:$0x3FFC];
	_ =	sdelay $0x3  }
0x94: {  	_ =	strace s3  }
0x95: {  	s3 =	sld [smem:$0x3FFD];
	_ =	sdelay $0x3  }
0x96: {  	_ =	strace s3  }
0x97: {  	_ =	strace $0x8FFFFFFF  }
0x98: {  	s19 =	sld [smem:$0x3FDB];
	_ =	sdelay $0x1  }
0x99: {  	s4 =	simm.s32 $_scs_section_size  }
0x9a: {  	s5 =	simm.s32 $_size__tile_overlayer_lowered;
	s6 =	simm.s32 $_tile_overlayer_lowered  }
0x9b: {  	s22 =	simm.s32 $0x1BFF;
	s21 =	sshll.u32 s6, $0x1;
	s3 =	sadd.s32 s4, s19  }
0x9c: {  	s7 =	simm.s32 $0x0;
	s20 =	sshll.u32 s5, $0x1;
	s5 =	sadd.s32 s21, s3  }
0x9d: {  	[timem:s7], [sflag:s22] =	dma.local [hbm:s5], s20  }
0x9e: {  	_ =	swait.ge [sflag:s22], s20  }
0x9f: {  	s4 =	ssub.s32 $0x0, s20;
	[sflag:s22] =	ssyncset.done $0x0  }
0xa0: {  	[sflag:s22] =	ssyncadd.s32 s4;
	_ =	sdelay $0x1  }
0xa1: {  	s23 =	simm.s32 $0x1B8B  }
0xa2: {  	_ =	swait.ge [sflag:s23], $0x1  }
0xa3: {  	[sflag:s23] =	ssyncset.done $0x0  }
0xa4: {  	s25 =	simm.s32 $0x1B8E;
	s24 =	sld [smem:$0x3FFE];
	[sflag:s23] =	ssyncadd.s32 $0xFFFFFFFF  }
0xa5: {  	s26 =	simm.s32 $execute0_lowered;
	[smem:$0x3FD2] =	sst s25  }
0xa6: {  	s5 =	sshll.u32 s26, $0x1;
	_ =	strace $0x80000049;
	[dreg:$0x1] =	wrdreg $0xFFFFFFFF  }
0xa7: {  	s28 =	simm.s32 $_size_execute0_lowered;
	s3 =	sadd.s32 s3, s5;
	[dreg:$0x0] =	wrdreg $0x0  }
0xa8: {  	s5 =	sshll.u32 s28, $0x1;
	[dreg:$0x2] =	wrdreg s3  }
0xa9: {  	[dreg:$0x3] =	wrdreg s5  }
0xaa: {  	[dreg:$0x4] =	wrdreg $0xC0  }
0xab: {  	_ =	task [dreg:s7], $0x5FFFF  }
0xac: {  	[dreg:$0x1] =	wrdreg $0xFFFFFFFF  }
0xad: {  	[dreg:$0x0] =	wrdreg $0x60  }
0xae: {  	[dreg:$0x2] =	wrdreg s2  }
0xaf: {  	[dreg:$0x3] =	wrdreg s24  }
0xb0: {  	[dreg:$0x4] =	wrdreg $0x41000  }
0xb1: {  	[dreg:$0x5] =	wrdreg $0x9  }
0xb2: {  	_ =	task.clear_ibuf [dreg:s7], $0x6FFFF;
	_ =	strace $0x90000049  }
0xb3: {  	s29 =	simm.s32 $0x9;
	_ =	strace $0x8000004B  }
0xb4: {  	_ =	swait.ge [sflag:s29], $0x1  }
0xb5: {  	[sflag:s29] =	ssyncadd.s32 $0xFFFFFFFF  }
0xb6: {  	_ =	strace $0x9000004B  }
0xb7: {  	_ =	sfence  }
0xb8: {  	s30 =	sld [smem:$0x0];
	_ =	sdelay $0x2  }
0xb9: {  	s31 =	sshll.u32 s1, $0xD;
	s1 =	sshrl.u32 s1, $0x2  }
0xba: {  	s3 =	sand.u32 $0x4000, s31;
	s1 =	sadd.s32 s1, s30  }
0xbb: {  	s0 =	sor.u32 s3, s0;
	s1 =	sshll.u32 s1, $0x11  }
0xbc: {  	s0 =	sor.u32 s1, s0  }
0xbd: {  	s0 =	sadd.s32 $0x8F2B, s0  }
0xbe: {  	[sflag:s0] =	ssyncadd.remote.s32 $0x1  }
0xbf: {  	_ =	sfence.sel $0xFFFF  }
0xc0: {  	[dreg:$0x0] =	wrdreg $0xFFFFFFFF;
	(pc) =	sbr.abs _section_cstart, $3  }
0xc1: {  	[dreg:$0x1] =	wrdreg $0xFFFFFFFF  }
0xc2: {  	_ =	task.clear_ibuf [dreg:s7], $0x2FFFF;
	_ =	strace $0x9FFFFFFF  }
0xc3: {  	(tm) =	ssettm $0x7FFFFFFF  }
tec
execute0_lowered:
.L_overlay_start_1:
0x0: {  	(tag) =	ssettag $0x1  }
0x1: {  	s10 =	rddreg [dreg:$0x0]  }
0x2: {  	s5 =	rddreg [dreg:$0x1];
	s0 =	stileid.u32  }
0x3: {  	s1 =	srdreg.scid;
	s4 =	smul.u32 $0xA00, s0  }
0x4: {  	s2 =	rddreg [dreg:$0x2];
	s3 =	simm.s32 $0x0;
	s8 =	smul.u32 $0x280, s0  }
0x5: {  	s15 =	simm.s32 $0x1;
	s16 =	simm.s32 $0x0;
	s28 =	smul.u32 $0x50000, s0  }
0x6: {  	s6 =	sand.u32 $0x1, s1;
	s1 =	rddreg [dreg:$0x3];
	s12 =	smul.u32 $0x5000, s0  }
0x7: {  	[smem:$0x7FF] =	sst s3;
	s30 =	sshll.u32 s0, $0x6;
	s7 =	smul.u32 $0x2800, s6  }
0x8: {  	_ =	strace $0x8000004A;
	s11 =	ssub.s32 $0x2, s6;
	s6 =	smul.u32 $0x50000, s6  }
0x9: {  	s9 =	sadd.s32 s4, s5;
	s4 =	sadd.s32 $0xBE00, s5;
	s13 =	sshrl.u32 s11, $0x1  }
0xa: {  	s7 =	sadd.s32 s8, s7;
	s8 =	sshrl.u32 s28, $0x2;
	s11 =	ssub.s32 s11, s13  }
0xb: {  	s31 =	sadd.s32 s12, s6;
	s6 =	sor.u32 $0x1C02, s30;
	s9 =	sadd.s32 $0x1E00, s9  }
0xc: {  	s13 =	simm.s32 $0x80;
	s7 =	sshll.u32 s7, $0x4;
	s29 =	sadd.s32 s8, s2  }
0xd: {  	s12 =	sshrl.u32 s31, $0x3;
	s8 =	smax.u32 s11, $0x1;
	s14 =	sadd.s32 s7, s5  }
0xe: {  	s5 =	sadd.s32 s4, s7;
	s10 =	sadd.s32 s12, s10;
	s11 =	sshrl.u32 s29, $0x3  }
0xf: {  	s12 =	simm.s32 $0x2;
	s7 =	sadd.s32 $0x68E00, s14;
	s14 =	simm.s32 $0x100  }
.LBB2_1:
0x10: {  	[spmem:s11], [sflag:s6] =	dma.local [hbm:s5], $0x2800  }
0x11: {  	_ =	swait.ge [sflag:s12], $0x2800  }
0x12: {  	[sflag:s12] =	ssyncset.done $0x0  }
0x13: {  	[sflag:s12] =	ssyncadd.s32 $0xFFFFD800  }
0x14: {  	s17 =	sadd.s32 $0x0, s10;
	[bflag:$0x0] =	sbarrier.arrive $0xFFFF  }
0x15: {  	[tilespmem:s3], [sflag:$0x2] =	stream.linear.gather [hbm4b:s17+s3], $0x80, $0x38;
	[tilespmem:$0x18100] =	vst v63  }
0x16: {  	_ =	swait.ge [sflag:s12], $0x80  }
0x17: {  	[sflag:s12] =	ssyncset.done $0x0  }
0x18: {  	s31 =	sadd.s32 $0x0, s9;
	[sflag:s12] =	ssyncadd.s32 $0xFFFFFF80  }
0x19: {  	[tilespmem:s13], [sflag:$0x2] =	stream.linear.gather [hbm4b:s31+s3], $0x80, $0x38;
	[tilespmem:$0x18100] =	vst v63  }
0x1a: {  	_ =	swait.ge [sflag:s12], $0x80  }
0x1b: {  	[sflag:s12] =	ssyncset.done $0x0  }
0x1c: {  	[sflag:s12] =	ssyncadd.s32 $0xFFFFFF80  }
0x1d: {  	[tilespmem:s14], [sflag:$0x1] =	stream.indirect.gather [hbm4b:s4+s13], $0x80, s3, s13, $0xb8;
	[tilespmem:$0x18100] =	vst v63  }
0x1e: {  	_ =	swait.ge [sflag:s15], $0x4000  }
0x1f: {  	[sflag:s15] =	ssyncset.done $0x0  }
0x20: {  	[sflag:s15] =	ssyncadd.s32 $0xFFFFC000  }
0x21: {  	[spmem:s2] =	stream.indirect.scatter.add.f32 [tilespmem:s14], [sflag:$0x2], $0x80, s13, s13, $0xb8;
	[tilespmem:$0x18100] =	vst v63  }
0x22: {  	_ =	swait.ge [sflag:s12], $0x4000  }
0x23: {  	s18 =	simm.s32 $0x20;
	s17 =	simm.s32 $0x10;
	[sflag:s12] =	ssyncset.done $0x0  }
.LBB2_2:
0x24: {  	s19 =	sadd.s32 s17, s10  }
0x25: {  	[sflag:s12] =	ssyncadd.s32 $0xFFFFC000;
	s20 =	smov.u32 s18;
	s21 =	sadd.s32 $0x10, s18  }
0x26: {  	[tilespmem:s3], [sflag:$0x2] =	stream.linear.gather [hbm4b:s19+s3], $0x80, $0x38;
	[tilespmem:$0x18100] =	vst v63  }
0x27: {  	p0 =	sne.s32 s18, $0x9F0;
	_ =	swait.ge [sflag:s12], $0x80  }
0x28: {  	[sflag:s12] =	ssyncset.done $0x0  }
0x29: {  	s18 =	sadd.s32 s17, s9;
	s17 =	smov.u32 s20;
	[sflag:s12] =	ssyncadd.s32 $0xFFFFFF80  }
0x2a: {  	[tilespmem:s13], [sflag:$0x2] =	stream.linear.gather [hbm4b:s18+s3], $0x80, $0x38;
	[tilespmem:$0x18100] =	vst v63  }
0x2b: {  	_ =	swait.ge [sflag:s12], $0x80  }
0x2c: {  	[sflag:s12] =	ssyncset.done $0x0  }
0x2d: {  	[sflag:s12] =	ssyncadd.s32 $0xFFFFFF80  }
0x2e: {  	[tilespmem:s14], [sflag:$0x1] =	stream.indirect.gather [hbm4b:s4+s13], $0x80, s3, s13, $0xb8;
	[tilespmem:$0x18100] =	vst v63  }
0x2f: {  	_ =	swait.ge [sflag:s15], $0x4000  }
.Ltmp0:
0x30: {  	[sflag:s15] =	ssyncset.done $0x0;
	(pc) =	sbr.rel @p0 .LBB2_2-.Ltmp0, $4  }
0x31: {  	[sflag:s15] =	ssyncadd.s32 $0xFFFFC000  }
0x32: {  	[spmem:s2] =	stream.indirect.scatter.add.f32 [tilespmem:s14], [sflag:$0x2], $0x80, s13, s13, $0xb8;
	[tilespmem:$0x18100] =	vst v63  }
0x33: {  	_ =	swait.ge [sflag:s12], $0x4000  }
0x34: {  	s18 =	smov.u32 s21;
	[sflag:s12] =	ssyncset.done $0x0  }
0x35: {  	s18 =	sadd.s32 s17, s10;
	[sflag:s12] =	ssyncadd.s32 $0xFFFFC000  }
0x36: {  	[tilespmem:s3], [sflag:$0x2] =	stream.linear.gather [hbm4b:s18+s3], $0x80, $0x38;
	[tilespmem:$0x18100] =	vst v63  }
0x37: {  	_ =	swait.ge [sflag:s12], $0x80  }
0x38: {  	[sflag:s12] =	ssyncset.done $0x0  }
0x39: {  	s31 =	sadd.s32 s17, s9;
	[sflag:s12] =	ssyncadd.s32 $0xFFFFFF80  }
0x3a: {  	[tilespmem:s13], [sflag:$0x2] =	stream.linear.gather [hbm4b:s31+s3], $0x80, $0x38;
	[tilespmem:$0x18100] =	vst v63  }
0x3b: {  	_ =	swait.ge [sflag:s12], $0x80  }
0x3c: {  	[sflag:s12] =	ssyncset.done $0x0  }
0x3d: {  	[sflag:s12] =	ssyncadd.s32 $0xFFFFFF80  }
0x3e: {  	[tilespmem:s14], [sflag:$0x1] =	stream.indirect.gather [hbm4b:s4+s13], $0x80, s3, s13, $0xb8;
	[tilespmem:$0x18100] =	vst v63  }
0x3f: {  	_ =	swait.ge [sflag:s15], $0x4000  }
0x40: {  	[sflag:s15] =	ssyncset.done $0x0  }
0x41: {  	[sflag:s15] =	ssyncadd.s32 $0xFFFFC000  }
0x42: {  	[spmem:s2] =	stream.indirect.scatter.add.f32 [tilespmem:s14], [sflag:$0x2], $0x80, s13, s13, $0xb8;
	[tilespmem:$0x18100] =	vst v63  }
0x43: {  	_ =	swait.ge [sflag:s12], $0x4000  }
0x44: {  	s16 =	sadd.s32 $0x1, s16;
	[sflag:s12] =	ssyncset.done $0x0  }
0x45: {  	p0 =	sne.s32 s16, s8;
	[sflag:s12] =	ssyncadd.s32 $0xFFFFC000  }
.Ltmp1:
0x46: {  	[bflag:$0x0] =	sbarrier.arrive $0xFFFF;
	(pc) =	sbr.rel @p0 .LBB2_1-.Ltmp1, $4  }
0x47: {  	[hbm:s7], [sflag:s6] =	dma.local [spmem:s11], $0x2800  }
0x48: {  	_ =	swait.ge [sflag:s12], $0x2800  }
0x49: {  	[sflag:s12] =	ssyncset.done $0x0  }
0x4a: {  	[sflag:s12] =	ssyncadd.s32 $0xFFFFD800  }
0x4b: {  	_ =	sfence.sel $0x180000  }
0x4c: {  	[bflag:$0x0] =	sbarrier.arrive $0xFFFF  }
0x4d: {  	p0 =	sne.s32 s0, $0x0;
	_ =	strace $0x9000004A  }
0x4e: {  	s0 =	sadd.s32 @!p0 $0x100000, s1;
	[bflag:$0x2] =	sbarrier.arrive $0xFFFF  }
0x4f: {  	[sflag:s0] =	ssyncadd.tile.s32 @!p0 $0x1;
	_ =	shalt  }
.Lfunc_end2:
_tile_overlayer_lowered:
.L_overlay_start_2:
0x50: {  	(tag) =	ssettag $0x2  }
0x51: {  	s0 =	rddreg [dreg:$0x0];
	s2 =	stileid.u32  }
0x52: {  	s1 =	rddreg [dreg:$0x1];
	p0 =	sne.s32 s2, $0x0  }
0x53: {  	s3 =	rddreg [dreg:$0x2];
	[bflag:$0x3] =	sbarrier.arrive $0xFFFF;
	s2 =	simm.s32 @!p0 $0x1C02  }
0x54: {  	[timem:s3], [sflag:s2] =	dma.local @!p0 [hbm:s0], s1  }
0x55: {  	s0 =	simm.s32 @!p0 $0x2  }
0x56: {  	_ =	swait.ge @!p0 [sflag:s0], s1  }
0x57: {  	s1 =	ssub.s32 @!p0 $0x0, s1;
	[sflag:s0] =	ssyncset.done @!p0 $0x0  }
0x58: {  	[sflag:s0] =	ssyncadd.s32 @!p0 s1  }
0x59: {  	[bflag:$0x3] =	sbarrier.arrive $0xFFFF  }
0x5a: {  	_ =	shalt  }

// kernel: gcn_sc_spmm2.3.cloned.1.call-start
scs
__scs_entry_jumppad:
0x0: {  	(pc) =	sbr.rel $0x88, $3  }
0x1: {  	(tag) =	ssettag $0x0;
	lr =	simm.s32 $0x1  }
0x2: {  	[smem:$0x3F9B] =	sst lr;
	_ =	strace $0xD0000000  }
0x3: {  	_ = 	snop  }
0x4: {  	_ = 	snop  }
0x5: {  	_ = 	snop  }
0x6: {  	_ = 	snop  }
0x7: {  	_ = 	snop  }
__scs_overlays_trampoline_lowered:
0x8: {  	[smem:$0x3FAA] =	sst s0  }
0x9: {  	[smem:$0x3FAB] =	sst s1  }
0xa: {  	[smem:$0x3FAC] =	sst s2  }
0xb: {  	[smem:$0x3FAD] =	sst s3  }
0xc: {  	[smem:$0x3FAE] =	sst s4  }
0xd: {  	[smem:$0x3FAF] =	sst s5  }
0xe: {  	[smem:$0x3FB0] =	sst s6  }
0xf: {  	[smem:$0x3FB1] =	sst s7  }
0x10: {  	[smem:$0x3FB2] =	sst s8  }
0x11: {  	[smem:$0x3FB3] =	sst s9;
	s0 =	simm.s32 @!p0 $0x0  }
0x12: {  	s1 =	sld [smem:$0x3F99];
	s0 =	simm.s32 @p0 $0x1  }
0x13: {  	[smem:$0x3FB4] =	sst s0;
	s0 =	simm.s32 @!p1 $0x0  }
0x14: {  	s2 =	sld [smem:$0x3F98];
	s0 =	simm.s32 @p1 $0x1  }
0x15: {  	[smem:$0x3FB5] =	sst s0;
	s0 =	simm.s32 @!p2 $0x0  }
0x16: {  	s3 =	sld [smem:$0x3FDB];
	s0 =	simm.s32 @p2 $0x1  }
0x17: {  	s4 =	simm.s32 $0x1BF5;
	[smem:$0x3FB7] =	sst s0  }
0x18: {  	s0 =	sld [smem:$0x3F9A];
	_ =	swait.ge [sflag:s4], $0x0  }
0x19: {  	s7 =	sld [smem:$0x3F9B]  }
0x1a: {  	s8 =	sadd.s32 $0xFFFFE003, lr  }
0x1b: {  	s9 =	sadd.s32 $0xFFFFFEF7, lr;
	s5 =	simm.s32 $0xFFFFFFFF;
	p2 =	slt.u32 s8, $0xFFFFF086  }
0x1c: {  	p1 =	slt.u32 s9, $0xF7A;
	s5 =	simm.s32 @!p2 $0x0  }
0x1d: {  	s5 =	simm.s32 @p1 $0x1;
	p0 =	seq.s32 s7, s2  }
0x1e: {  	s7 =	smul.u32 @!p0 $0xF7A, s2;
	p2 =	seq.s32 @!p0 s5, $0x0  }
0x1f: {  	s9 =	smul.u32 $0xF7A, s1;
	s8 =	simm.s32 @!p0 $0x1BF5;
	p2 =	por !p2, p0  }
0x20: {  	[sflag:s8] =	ssyncset.s32 @!p0 $0xFFFFF086;
	s6 =	sadd.s32 @!p0 s3, s7;
	s7 =	simm.s32 @!p0 $0x108  }
0x21: {  	s3 =	sadd.s32 s3, s9;
	s6 =	sadd.s32 @!p0 $0x88, s6;
	s7 =	simm.s32 @p2 $0x1082  }
0x22: {  	[simem:s7], [sflag:s8] =	dma.local @!p0 [hbm:s6], $0xF7A  }
0x23: {  	s9 =	sor.u32 $0xD0000000, s2;
	s6 =	simm.s32 $0x108;
	_ =	swait.ge @!p0 [sflag:s8], $0x0  }
0x24: {  	s3 =	sadd.s32 $0x88, s3;
	s6 =	simm.s32 @!p1 $0x1082;
	[sflag:s4] =	ssyncset.s32 $0xFFFFF086  }
0x25: {  	[simem:s6], [sflag:s4] =	dma.local [hbm:s3], $0xF7A  }
0x26: {  	[smem:$0x3F9B] =	sst s1;
	(tag) =	ssettag s2;
	_ =	strace s9  }
0x27: {  	s1 =	sld [smem:$0x3FAB]  }
0x28: {  	s2 =	sld [smem:$0x3FAC]  }
0x29: {  	s4 =	sld [smem:$0x3FAE]  }
0x2a: {  	p0 =	seq.s32 s5, $0x0;
	s5 =	sld [smem:$0x3FAF]  }
0x2b: {  	s6 =	sld [smem:$0x3FB0]  }
0x2c: {  	s7 =	sld [smem:$0x3FB1]  }
0x2d: {  	s3 =	simm.s32 $0x108;
	s8 =	sld [smem:$0x3FB2]  }
0x2e: {  	s3 =	simm.s32 @!p0 $0x1082;
	s9 =	sld [smem:$0x3FB3]  }
0x2f: {  	lr =	sadd.s32 s0, s3;
	s0 =	sld [smem:$0x3FAA]  }
0x30: {  	s3 =	sld [smem:$0x3FAD]  }
0x31: {  	[smem:$0x3FB6] =	sst s10  }
0x32: {  	s10 =	sld [smem:$0x3FB4];
	_ =	sdelay $0x3  }
0x33: {  	p0 =	seq.s32 s10, $0x1;
	s10 =	sld [smem:$0x3FB6];
	_ =	sdelay $0x3  }
0x34: {  	[smem:$0x3FB6] =	sst s10  }
0x35: {  	s10 =	sld [smem:$0x3FB5];
	_ =	sdelay $0x3  }
0x36: {  	p1 =	seq.s32 s10, $0x1;
	s10 =	sld [smem:$0x3FB6];
	_ =	sdelay $0x3  }
0x37: {  	[smem:$0x3FB6] =	sst s10  }
0x38: {  	s10 =	sld [smem:$0x3FB7]  }
0x39: {  	_ = 	snop;
	(pc) =	sbr.ind lr, $3  }
0x3a: {  	_ = 	snop  }
0x3b: {  	_ = 	snop  }
0x3c: {  	p2 =	seq.s32 s10, $0x1;
	s10 =	sld [smem:$0x3FB6]  }
0x3d: {  	_ =	shalt  }
0x3e: {  	_ =	shalt  }
0x3f: {  	_ =	shalt  }
0x40: {  	_ =	shalt  }
0x41: {  	_ =	shalt  }
0x42: {  	_ =	shalt  }
0x43: {  	_ =	shalt  }
0x44: {  	_ =	shalt  }
0x45: {  	_ =	shalt  }
0x46: {  	_ =	shalt  }
0x47: {  	_ =	shalt  }
0x48: {  	_ =	shalt  }
0x49: {  	_ =	shalt  }
0x4a: {  	_ =	shalt  }
0x4b: {  	_ =	shalt  }
0x4c: {  	_ =	shalt  }
0x4d: {  	_ =	shalt  }
0x4e: {  	_ =	shalt  }
0x4f: {  	_ =	shalt  }
0x50: {  	_ =	shalt  }
0x51: {  	_ =	shalt  }
0x52: {  	_ =	shalt  }
0x53: {  	_ =	shalt  }
0x54: {  	_ =	shalt  }
0x55: {  	_ =	shalt  }
0x56: {  	_ =	shalt  }
0x57: {  	_ =	shalt  }
0x58: {  	_ =	shalt  }
0x59: {  	_ =	shalt  }
0x5a: {  	_ =	shalt  }
0x5b: {  	_ =	shalt  }
0x5c: {  	_ =	shalt  }
0x5d: {  	_ =	shalt  }
0x5e: {  	_ =	shalt  }
0x5f: {  	_ =	shalt  }
0x60: {  	_ =	shalt  }
0x61: {  	_ =	shalt  }
0x62: {  	_ =	shalt  }
0x63: {  	_ =	shalt  }
0x64: {  	_ =	shalt  }
0x65: {  	_ =	shalt  }
0x66: {  	_ =	shalt  }
0x67: {  	_ =	shalt  }
0x68: {  	_ =	shalt  }
0x69: {  	_ =	shalt  }
0x6a: {  	_ =	shalt  }
0x6b: {  	_ =	shalt  }
0x6c: {  	_ =	shalt  }
0x6d: {  	_ =	shalt  }
0x6e: {  	_ =	shalt  }
0x6f: {  	_ =	shalt  }
0x70: {  	_ =	shalt  }
0x71: {  	_ =	shalt  }
0x72: {  	_ =	shalt  }
0x73: {  	_ =	shalt  }
0x74: {  	_ =	shalt  }
0x75: {  	_ =	shalt  }
0x76: {  	_ =	shalt  }
0x77: {  	_ =	shalt  }
0x78: {  	_ =	shalt  }
0x79: {  	_ =	shalt  }
0x7a: {  	_ =	shalt  }
0x7b: {  	_ =	shalt  }
0x7c: {  	_ =	shalt  }
0x7d: {  	_ =	shalt  }
0x7e: {  	_ =	shalt  }
0x7f: {  	_ =	shalt  }
0x80: {  	_ =	shalt  }
0x81: {  	_ =	shalt  }
0x82: {  	_ =	shalt  }
0x83: {  	_ =	shalt  }
0x84: {  	_ =	shalt  }
0x85: {  	_ =	shalt  }
0x86: {  	_ =	shalt  }
0x87: {  	_ =	shalt  }
.Lfunc_end0:
.L_simem_size_0:
called_computation.2_lowered:
.L_overlay_start_0:
0x88: {  	s2 =	sld [smem:$0x3FD9]  }
0x89: {  	s3 =	sld [smem:$0x3FFE];
	_ =	sdelay $0x1  }
0x8a: {  	s1 =	srdreg.scid  }
0x8b: {  	s0 =	sand.u32 $0x1, s1  }
0x8c: {  	s16 =	sshll.u32 s0, $0xA;
	s2 =	sadd.s32 s3, s2  }
0x8d: {  	s2 =	sadd.s32 s2, s16  }
0x8e: {  	[smem:$0x3FC2] =	sst s2  }
0x8f: {  	_ = 	snop  }
0x90: {  	(tm) =	ssettm $0x1  }
0x91: {  	s17 =	sld [smem:$0x3FFB];
	_ =	sdelay $0x3  }
0x92: {  	_ =	strace s17  }
0x93: {  	s2 =	sld [smem:$0x3FFC];
	_ =	sdelay $0x3  }
0x94: {  	_ =	strace s2  }
0x95: {  	s2 =	sld [smem:$0x3FFD];
	_ =	sdelay $0x3  }
0x96: {  	_ =	strace s2  }
0x97: {  	_ =	strace $0x8FFFFFFF  }
0x98: {  	s18 =	sld [smem:$0x3FDB];
	_ =	sdelay $0x1  }
0x99: {  	s19 =	simm.s32 $_scs_section_size  }
0x9a: {  	s4 =	simm.s32 $_size__tile_overlayer_lowered;
	s5 =	simm.s32 $_tile_overlayer_lowered  }
0x9b: {  	s22 =	simm.s32 $0x1BFF;
	s21 =	sshll.u32 s5, $0x1;
	s2 =	sadd.s32 s19, s18  }
0x9c: {  	s6 =	simm.s32 $0x0;
	s20 =	sshll.u32 s4, $0x1;
	s4 =	sadd.s32 s21, s2  }
0x9d: {  	[timem:s6], [sflag:s22] =	dma.local [hbm:s4], s20  }
0x9e: {  	_ =	swait.ge [sflag:s22], s20  }
0x9f: {  	s3 =	ssub.s32 $0x0, s20;
	[sflag:s22] =	ssyncset.done $0x0  }
0xa0: {  	[sflag:s22] =	ssyncadd.s32 s3;
	_ =	sdelay $0x1  }
0xa1: {  	s23 =	simm.s32 $0x1B8B  }
0xa2: {  	_ =	swait.ge [sflag:s23], $0x1  }
0xa3: {  	[sflag:s23] =	ssyncset.done $0x0  }
0xa4: {  	s25 =	simm.s32 $0x1B8E;
	s24 =	sld [smem:$0x3FFE];
	[sflag:s23] =	ssyncadd.s32 $0xFFFFFFFF  }
0xa5: {  	s26 =	simm.s32 $execute0_lowered;
	[smem:$0x3FD2] =	sst s25  }
0xa6: {  	s4 =	sshll.u32 s26, $0x1;
	_ =	strace $0x8000004C;
	[dreg:$0x1] =	wrdreg $0xFFFFFFFF  }
0xa7: {  	s28 =	simm.s32 $_size_execute0_lowered;
	s2 =	sadd.s32 s2, s4;
	[dreg:$0x0] =	wrdreg $0x0  }
0xa8: {  	s4 =	sshll.u32 s28, $0x1;
	[dreg:$0x2] =	wrdreg s2  }
0xa9: {  	[dreg:$0x3] =	wrdreg s4  }
0xaa: {  	[dreg:$0x4] =	wrdreg $0xC0  }
0xab: {  	_ =	task [dreg:s6], $0x5FFFF  }
0xac: {  	[dreg:$0x1] =	wrdreg $0xFFFFFFFF  }
0xad: {  	[dreg:$0x0] =	wrdreg $0x60  }
0xae: {  	[dreg:$0x2] =	wrdreg s24  }
0xaf: {  	[dreg:$0x3] =	wrdreg $0x41000  }
0xb0: {  	[dreg:$0x4] =	wrdreg $0x9  }
0xb1: {  	_ =	task.clear_ibuf [dreg:s6], $0x5FFFF;
	_ =	strace $0x9000004C  }
0xb2: {  	s29 =	simm.s32 $0x9;
	_ =	strace $0x8000004E  }
0xb3: {  	_ =	swait.ge [sflag:s29], $0x1  }
0xb4: {  	[sflag:s29] =	ssyncadd.s32 $0xFFFFFFFF  }
0xb5: {  	_ =	strace $0x9000004E  }
0xb6: {  	_ =	sfence  }
0xb7: {  	s30 =	sld [smem:$0x0];
	_ =	sdelay $0x2  }
0xb8: {  	s31 =	sshll.u32 s1, $0xD;
	s1 =	sshrl.u32 s1, $0x2  }
0xb9: {  	s3 =	sand.u32 $0x4000, s31;
	s1 =	sadd.s32 s1, s30  }
0xba: {  	s0 =	sor.u32 s3, s0;
	s1 =	sshll.u32 s1, $0x11  }
0xbb: {  	s0 =	sor.u32 s1, s0  }
0xbc: {  	s0 =	sadd.s32 $0x8F2B, s0  }
0xbd: {  	[sflag:s0] =	ssyncadd.remote.s32 $0x1  }
0xbe: {  	_ =	sfence.sel $0xFFFF  }
0xbf: {  	[dreg:$0x0] =	wrdreg $0xFFFFFFFF;
	(pc) =	sbr.abs _section_cstart, $3  }
0xc0: {  	[dreg:$0x1] =	wrdreg $0xFFFFFFFF  }
0xc1: {  	_ =	task.clear_ibuf [dreg:s6], $0x2FFFF;
	_ =	strace $0x9FFFFFFF  }
0xc2: {  	(tm) =	ssettm $0x7FFFFFFF  }
0xc3: {  	_ =	shalt  }
tec
execute0_lowered:
.L_overlay_start_1:
0x0: {  	(tag) =	ssettag $0x1  }
0x1: {  	s0 =	srdreg.scid;
	s5 =	rddreg [dreg:$0x0]  }
0x2: {  	s2 =	rddreg [dreg:$0x1];
	s1 =	stileid.u32;
	s3 =	simm.s32 $0x0  }
0x3: {  	s13 =	simm.s32 $0x80;
	s14 =	simm.s32 $0x100;
	s8 =	smul.u32 $0x280, s1  }
0x4: {  	s15 =	simm.s32 $0x1;
	s16 =	simm.s32 $0x0;
	s25 =	smul.u32 $0x50000, s1  }
0x5: {  	s4 =	sand.u32 $0x1, s0;
	s0 =	rddreg [dreg:$0x2];
	s29 =	smul.u32 $0x500, s1  }
0x6: {  	[smem:$0x7FF] =	sst s3;
	s30 =	sshll.u32 s1, $0x6;
	s6 =	smul.u32 $0x5000, s4  }
0x7: {  	s7 =	smul.u32 $0x2800, s4;
	_ =	strace $0x8000004D;
	s24 =	ssub.s32 $0x2, s4  }
0x8: {  	s4 =	sadd.s32 $0xBE00, s5;
	s26 =	sshrl.u32 s24, $0x1;
	s28 =	sshrl.u32 s25, $0x2  }
0x9: {  	s9 =	sadd.s32 s6, s5;
	s23 =	sadd.s32 s8, s7;
	s11 =	ssub.s32 s24, s26  }
0xa: {  	s12 =	sadd.s32 s28, s2;
	s6 =	sshll.u32 s23, $0x4;
	s31 =	sadd.s32 s29, s9  }
0xb: {  	s8 =	smax.u32 s11, $0x1;
	s11 =	sshrl.u32 s12, $0x3;
	s12 =	simm.s32 $0x2  }
0xc: {  	s10 =	sadd.s32 s6, s5;
	s5 =	sadd.s32 s4, s6;
	s6 =	sor.u32 $0x1C02, s30  }
0xd: {  	s9 =	sadd.s32 $0x1E00, s31;
	s7 =	sadd.s32 $0x68E00, s10;
	s10 =	sadd.s32 $0x5EE00, s31  }
.LBB2_1:
0xe: {  	[spmem:s11], [sflag:s6] =	dma.local [hbm:s5], $0x2800  }
0xf: {  	_ =	swait.ge [sflag:s12], $0x2800  }
0x10: {  	[sflag:s12] =	ssyncset.done $0x0  }
0x11: {  	[sflag:s12] =	ssyncadd.s32 $0xFFFFD800  }
0x12: {  	s17 =	sadd.s32 $0x0, s10;
	[bflag:$0x0] =	sbarrier.arrive $0xFFFF  }
0x13: {  	[tilespmem:s3], [sflag:$0x2] =	stream.linear.gather [hbm4b:s17+s3], $0x80, $0x38;
	[tilespmem:$0x18100] =	vst v63  }
0x14: {  	_ =	swait.ge [sflag:s12], $0x80  }
0x15: {  	[sflag:s12] =	ssyncset.done $0x0  }
0x16: {  	s31 =	sadd.s32 $0x0, s9;
	[sflag:s12] =	ssyncadd.s32 $0xFFFFFF80  }
0x17: {  	[tilespmem:s13], [sflag:$0x2] =	stream.linear.gather [hbm4b:s31+s3], $0x80, $0x38;
	[tilespmem:$0x18100] =	vst v63  }
0x18: {  	_ =	swait.ge [sflag:s12], $0x80  }
0x19: {  	[sflag:s12] =	ssyncset.done $0x0  }
0x1a: {  	[sflag:s12] =	ssyncadd.s32 $0xFFFFFF80  }
0x1b: {  	[tilespmem:s14], [sflag:$0x1] =	stream.indirect.gather [hbm4b:s4+s13], $0x80, s3, s13, $0xb8;
	[tilespmem:$0x18100] =	vst v63  }
0x1c: {  	_ =	swait.ge [sflag:s15], $0x4000  }
0x1d: {  	[sflag:s15] =	ssyncset.done $0x0  }
0x1e: {  	[sflag:s15] =	ssyncadd.s32 $0xFFFFC000  }
0x1f: {  	[spmem:s2] =	stream.indirect.scatter.add.f32 [tilespmem:s14], [sflag:$0x2], $0x80, s13, s13, $0xb8;
	[tilespmem:$0x18100] =	vst v63  }
0x20: {  	_ =	swait.ge [sflag:s12], $0x4000  }
0x21: {  	s18 =	simm.s32 $0x20;
	s17 =	simm.s32 $0x10;
	[sflag:s12] =	ssyncset.done $0x0  }
.LBB2_2:
0x22: {  	s19 =	sadd.s32 s17, s10  }
0x23: {  	[sflag:s12] =	ssyncadd.s32 $0xFFFFC000;
	s20 =	smov.u32 s18;
	s21 =	sadd.s32 $0x10, s18  }
0x24: {  	[tilespmem:s3], [sflag:$0x2] =	stream.linear.gather [hbm4b:s19+s3], $0x80, $0x38;
	[tilespmem:$0x18100] =	vst v63  }
0x25: {  	p0 =	sne.s32 s18, $0x4F0;
	_ =	swait.ge [sflag:s12], $0x80  }
0x26: {  	[sflag:s12] =	ssyncset.done $0x0  }
0x27: {  	s18 =	sadd.s32 s17, s9;
	s17 =	smov.u32 s20;
	[sflag:s12] =	ssyncadd.s32 $0xFFFFFF80  }
0x28: {  	[tilespmem:s13], [sflag:$0x2] =	stream.linear.gather [hbm4b:s18+s3], $0x80, $0x38;
	[tilespmem:$0x18100] =	vst v63  }
0x29: {  	_ =	swait.ge [sflag:s12], $0x80  }
0x2a: {  	[sflag:s12] =	ssyncset.done $0x0  }
0x2b: {  	[sflag:s12] =	ssyncadd.s32 $0xFFFFFF80  }
0x2c: {  	[tilespmem:s14], [sflag:$0x1] =	stream.indirect.gather [hbm4b:s4+s13], $0x80, s3, s13, $0xb8;
	[tilespmem:$0x18100] =	vst v63  }
0x2d: {  	_ =	swait.ge [sflag:s15], $0x4000  }
.Ltmp0:
0x2e: {  	[sflag:s15] =	ssyncset.done $0x0;
	(pc) =	sbr.rel @p0 .LBB2_2-.Ltmp0, $4  }
0x2f: {  	[sflag:s15] =	ssyncadd.s32 $0xFFFFC000  }
0x30: {  	[spmem:s2] =	stream.indirect.scatter.add.f32 [tilespmem:s14], [sflag:$0x2], $0x80, s13, s13, $0xb8;
	[tilespmem:$0x18100] =	vst v63  }
0x31: {  	_ =	swait.ge [sflag:s12], $0x4000  }
0x32: {  	s18 =	smov.u32 s21;
	[sflag:s12] =	ssyncset.done $0x0  }
0x33: {  	s18 =	sadd.s32 s17, s10;
	[sflag:s12] =	ssyncadd.s32 $0xFFFFC000  }
0x34: {  	[tilespmem:s3], [sflag:$0x2] =	stream.linear.gather [hbm4b:s18+s3], $0x80, $0x38;
	[tilespmem:$0x18100] =	vst v63  }
0x35: {  	_ =	swait.ge [sflag:s12], $0x80  }
0x36: {  	[sflag:s12] =	ssyncset.done $0x0  }
0x37: {  	s31 =	sadd.s32 s17, s9;
	[sflag:s12] =	ssyncadd.s32 $0xFFFFFF80  }
0x38: {  	[tilespmem:s13], [sflag:$0x2] =	stream.linear.gather [hbm4b:s31+s3], $0x80, $0x38;
	[tilespmem:$0x18100] =	vst v63  }
0x39: {  	_ =	swait.ge [sflag:s12], $0x80  }
0x3a: {  	[sflag:s12] =	ssyncset.done $0x0  }
0x3b: {  	[sflag:s12] =	ssyncadd.s32 $0xFFFFFF80  }
0x3c: {  	[tilespmem:s14], [sflag:$0x1] =	stream.indirect.gather [hbm4b:s4+s13], $0x80, s3, s13, $0xb8;
	[tilespmem:$0x18100] =	vst v63  }
0x3d: {  	_ =	swait.ge [sflag:s15], $0x4000  }
0x3e: {  	[sflag:s15] =	ssyncset.done $0x0  }
0x3f: {  	[sflag:s15] =	ssyncadd.s32 $0xFFFFC000  }
0x40: {  	[spmem:s2] =	stream.indirect.scatter.add.f32 [tilespmem:s14], [sflag:$0x2], $0x80, s13, s13, $0xb8;
	[tilespmem:$0x18100] =	vst v63  }
0x41: {  	_ =	swait.ge [sflag:s12], $0x4000  }
0x42: {  	s16 =	sadd.s32 $0x1, s16;
	[sflag:s12] =	ssyncset.done $0x0  }
0x43: {  	p0 =	sne.s32 s16, s8;
	[sflag:s12] =	ssyncadd.s32 $0xFFFFC000  }
.Ltmp1:
0x44: {  	[bflag:$0x0] =	sbarrier.arrive $0xFFFF;
	(pc) =	sbr.rel @p0 .LBB2_1-.Ltmp1, $4  }
0x45: {  	[hbm:s7], [sflag:s6] =	dma.local [spmem:s11], $0x2800  }
0x46: {  	_ =	swait.ge [sflag:s12], $0x2800  }
0x47: {  	[sflag:s12] =	ssyncset.done $0x0  }
0x48: {  	[sflag:s12] =	ssyncadd.s32 $0xFFFFD800  }
0x49: {  	_ =	sfence.sel $0x180000  }
0x4a: {  	[bflag:$0x0] =	sbarrier.arrive $0xFFFF  }
0x4b: {  	p0 =	sne.s32 s1, $0x0;
	_ =	strace $0x9000004D  }
0x4c: {  	s0 =	sadd.s32 @!p0 $0x100000, s0;
	[bflag:$0x2] =	sbarrier.arrive $0xFFFF  }
0x4d: {  	[sflag:s0] =	ssyncadd.tile.s32 @!p0 $0x1;
	_ =	shalt  }
.Lfunc_end2:
_tile_overlayer_lowered:
.L_overlay_start_2:
0x4e: {  	(tag) =	ssettag $0x2  }
0x4f: {  	s0 =	rddreg [dreg:$0x0];
	s2 =	stileid.u32  }
0x50: {  	s1 =	rddreg [dreg:$0x1];
	p0 =	sne.s32 s2, $0x0  }
0x51: {  	s3 =	rddreg [dreg:$0x2];
	[bflag:$0x3] =	sbarrier.arrive $0xFFFF;
	s2 =	simm.s32 @!p0 $0x1C02  }
0x52: {  	[timem:s3], [sflag:s2] =	dma.local @!p0 [hbm:s0], s1  }
0x53: {  	s0 =	simm.s32 @!p0 $0x2  }
0x54: {  	_ =	swait.ge @!p0 [sflag:s0], s1  }
0x55: {  	s1 =	ssub.s32 @!p0 $0x0, s1;
	[sflag:s0] =	ssyncset.done @!p0 $0x0  }
0x56: {  	[sflag:s0] =	ssyncadd.s32 @!p0 s1  }
0x57: {  	[bflag:$0x3] =	sbarrier.arrive $0xFFFF  }
0x58: {  	_ =	shalt  }

</sc_bundles>
